<compile_context>
chip_gen: v7x
topology: tpu7x:2x2x1
jax: 0.10.2.dev20260603
libtpu: 0.0.44.dev20260713+nightly
codegen_flags: <defaults>
</compile_context>

<pallas_src>
import functools
import math

import jax
import jax.numpy as jnp
from jax import lax
from jax.experimental import pallas as pl
from jax.experimental.pallas import tpu as pltpu
from jax.experimental.pallas import tpu_sc as plsc

N_NODES = 100000
CLUST_SIZE = 512
D_DATA = 5
D_NODE = 16
MAX_DIST = 5.0
K_NN = 3
H_EDGE = 32
H_GLOB = 64
N_CLASSES = 2

_HI = jax.lax.Precision.HIGHEST
_LOG_S = float(math.log(float(CLUST_SIZE)))


def _bf(a):
    return a.astype(jnp.bfloat16).astype(jnp.float32)


def _bdot(a, b):
    return jnp.dot(a.astype(jnp.bfloat16), b.astype(jnp.bfloat16),
                   preferred_element_type=jnp.float32)


def _cluster_kernel(pts8_ref, We1_ref, be1_ref, We2_ref, be2_ref,
                    Wroot_ref, broot_ref, Wg1_ref, bg1_ref, Wg2_ref, bg2_ref,
                    out_ref):
    S = CLUST_SIZE
    pts = pts8_ref[:, 0:D_DATA]
    ptsT = jnp.transpose(pts)
    xyz = pts[:, 0:3]
    val = pts[:, 4:5]

    cent = jnp.mean(xyz, axis=0, keepdims=True)
    rel = xyz - cent
    dist = jnp.sqrt(jnp.sum(rel * rel, axis=1, keepdims=True) + 1e-12)
    var = jnp.mean(jnp.square(xyz - cent), axis=0, keepdims=True)
    std = jnp.sqrt(var)
    dnorm = jnp.clip(dist / MAX_DIST, 0.0, 1.0)
    ones = jnp.ones_like(dist)
    stdb = jnp.broadcast_to(std, rel.shape)
    centb = jnp.broadcast_to(cent, rel.shape)
    x = jnp.concatenate([xyz, rel, dist, dnorm, val, stdb, centb, ones],
                        axis=1)

    ext = (jnp.max(xyz, axis=0, keepdims=True)
           - jnp.min(xyz, axis=0, keepdims=True))
    mval = jnp.mean(val, axis=0, keepdims=True)
    sval = jnp.sqrt(jnp.mean(jnp.square(val - mval), axis=0, keepdims=True))
    tval = jnp.sum(val, axis=0, keepdims=True)
    rms = jnp.sqrt(jnp.mean(dist * dist, axis=0, keepdims=True))
    dmax = jnp.max(dist, axis=0, keepdims=True)
    lsize = jnp.full((1, 1), _LOG_S, dtype=jnp.float32)
    one = jnp.ones((1, 1), dtype=jnp.float32)
    u = jnp.concatenate([cent, std, ext, mval, sval, tval, rms, dmax,
                         lsize, one], axis=1)

    d2 = None
    for c in range(3):
        col = pts[:, c:c + 1]
        row = ptsT[c:c + 1, :]
        diff = col - row
        sq = diff * diff
        d2 = sq if d2 is None else d2 + sq
    ii = jax.lax.broadcasted_iota(jnp.int32, (S, S), 0).astype(jnp.float32)
    jj = jax.lax.broadcasted_iota(jnp.int32, (S, S), 1).astype(jnp.float32)
    d2 = d2 + jnp.where(ii == jj, 1e10, 0.0)

    x_src = []
    for _ in range(K_NN):
        m = jnp.min(d2, axis=1, keepdims=True)
        amin = jnp.min(jnp.where(d2 == m, jj, 1e9), axis=1,
                       keepdims=True)
        onehot = (jj == amin).astype(jnp.float32)
        g = jnp.dot(onehot, x, precision=_HI)
        x_src.append(g)
        d2 = jnp.where(jj == amin, 1e10, d2)

    agg = jnp.zeros((S, D_NODE), dtype=jnp.float32)
    for k in range(K_NN):
        g = x_src[k]
        disp = g[:, 0:3] - xyz
        edist = jnp.sqrt(jnp.sum(disp * disp, axis=1, keepdims=True) + 1e-12)
        e = jnp.concatenate([disp, edist], axis=1)
        h_e = jax.nn.relu(_bdot(e, We1_ref[...]) + be1_ref[...])
        W_e = _bdot(h_e, We2_ref[...]) + be2_ref[...]
        gb = _bf(g)
        W_eb = _bf(W_e)
        msg = jnp.zeros((S, D_NODE), dtype=jnp.float32)
        for d in range(D_NODE):
            msg = msg + gb[:, d:d + 1] * W_eb[:, d * D_NODE:(d + 1) * D_NODE]
        agg = agg + msg

    h = jax.nn.relu(_bdot(x, Wroot_ref[...]) + broot_ref[...] + agg)
    pooled = jnp.sum(h, axis=0, keepdims=True) / float(S)
    g_in = jnp.concatenate([pooled, u], axis=1)
    hg = jax.nn.relu(_bdot(g_in, Wg1_ref[...]) + bg1_ref[...])
    out_ref[...] = _bdot(hg, Wg2_ref[...]) + bg2_ref[...]


_NC = 2
_NS = 16
_NW = _NC * _NS
_RPW = CLUST_SIZE // _NW


def _sc_gather(table_hbm, clusts_hbm, pts_hbm, idx_v, rows_v, sem):
    wid = lax.axis_index("s") * _NC + lax.axis_index("c")
    base = wid * _RPW
    pltpu.sync_copy(clusts_hbm.at[0, pl.ds(base, _RPW)], idx_v)
    iv = idx_v[...]
    pltpu.async_copy(table_hbm.at[iv], rows_v, sem).wait()
    pltpu.sync_copy(rows_v, pts_hbm.at[pl.ds(base, _RPW), :])


_sc_gather_call = functools.partial(
    pl.kernel,
    out_type=jax.ShapeDtypeStruct((CLUST_SIZE, 8), jnp.float32),
    mesh=plsc.VectorSubcoreMesh(core_axis_name="c", subcore_axis_name="s"),
    scratch_types=[
        pltpu.VMEM((_RPW,), jnp.int32),
        pltpu.VMEM((_RPW, 8), jnp.float32),
        pltpu.SemaphoreType.DMA,
    ],
    compiler_params=pltpu.CompilerParams(use_tc_tiling_on_sc=False),
)(_sc_gather)


@jax.jit
def kernel(data, clusts, We1, be1, We2, be2, Wroot, broot, Wg1, bg1, Wg2,
           bg2):
    pts8 = _sc_gather_call(jnp.pad(data, ((0, 0), (0, 3))), clusts)
    out = pl.pallas_call(
        _cluster_kernel,
        out_shape=jax.ShapeDtypeStruct((1, N_CLASSES), jnp.float32),
    )(pts8, We1, be1.reshape(1, -1), We2, be2.reshape(1, -1),
      Wroot, broot.reshape(1, -1), Wg1, bg1.reshape(1, -1), Wg2,
      bg2.reshape(1, -1))
    return out.reshape(N_CLASSES)

# --- scband reference (transcript-rebuilt; emitter-appended) ---
"""Pipeline reference for scband-clust-gnnnode-encoder-2645699854470 (READ-ONLY COPY).

The authoritative reference and input builder live on the scoring server;
editing this copy changes nothing except your own understanding.
"""

import jax, jax.numpy as jnp
import numpy as np

N_NODES = 100000
N_CLUSTS = 64
CLUST_SIZE = 512
D_DATA = 5
D_NODE = 16
D_GLOB = 16
D_EDGE = 4
K_NN = 3
H_EDGE = 32
H_GLOB = 64
N_CLASSES = 2
MAX_DIST = 5.0


def setup_inputs(seed: int = 0) -> dict:
    key = jax.random.key(seed)
    ks = jax.random.split(key, 12)
    data = jax.random.normal(ks[0], (N_NODES, D_DATA), dtype=jnp.float32)
    clusts = jax.random.randint(ks[1], (N_CLUSTS, CLUST_SIZE), 0, N_NODES)
    We1 = jax.random.normal(ks[2], (D_EDGE, H_EDGE), dtype=jnp.float32) * 0.1
    be1 = jnp.zeros((H_EDGE,), dtype=jnp.float32)
    We2 = jax.random.normal(ks[3], (H_EDGE, D_NODE * D_NODE), dtype=jnp.float32) * 0.1
    be2 = jnp.zeros((D_NODE * D_NODE,), dtype=jnp.float32)
    Wroot = jax.random.normal(ks[4], (D_NODE, D_NODE), dtype=jnp.float32) * 0.1
    broot = jnp.zeros((D_NODE,), dtype=jnp.float32)
    Wg1 = jax.random.normal(ks[5], (D_NODE + D_GLOB, H_GLOB), dtype=jnp.float32) * 0.1
    bg1 = jnp.zeros((H_GLOB,), dtype=jnp.float32)
    Wg2 = jax.random.normal(ks[6], (H_GLOB, N_CLASSES), dtype=jnp.float32) * 0.1
    bg2 = jnp.zeros((N_CLASSES,), dtype=jnp.float32)
    return {"data": data, "clusts": clusts, "We1": We1, "be1": be1, "We2": We2, "be2": be2, "Wroot": Wroot, "broot": broot, "Wg1": Wg1, "bg1": bg1, "Wg2": Wg2, "bg2": bg2}


def _vtx_features(pts):
    # per-voxel 16-dim node features (analog of vtx_features)
    xyz = pts[:, :3]
    val = pts[:, 4:5]
    cent = jnp.mean(xyz, axis=0, keepdims=True)
    rel = xyz - cent
    dist = jnp.sqrt(jnp.sum(rel * rel, axis=1, keepdims=True) + 1e-12)
    std = jnp.std(xyz, axis=0, keepdims=True)
    stdb = jnp.broadcast_to(std, rel.shape)
    centb = jnp.broadcast_to(cent, rel.shape)
    dnorm = jnp.clip(dist / MAX_DIST, 0.0, 1.0)
    ones = jnp.ones_like(dist)
    return jnp.concatenate([xyz, rel, dist, dnorm, val, stdb, centb, ones], axis=1)


def _cluster_features(pts):
    # per-cluster 16-dim global features (analog of cluster_vtx_features)
    xyz = pts[:, :3]
    val = pts[:, 4]
    mean = jnp.mean(xyz, axis=0)
    std = jnp.std(xyz, axis=0)
    ext = jnp.max(xyz, axis=0) - jnp.min(xyz, axis=0)
    rel = xyz - mean[None, :]
    d = jnp.sqrt(jnp.sum(rel * rel, axis=1) + 1e-12)
    rms = jnp.sqrt(jnp.mean(d * d))
    dmax = jnp.max(d)
    mval = jnp.mean(val)
    sval = jnp.std(val)
    tval = jnp.sum(val)
    lsize = jnp.log(jnp.float32(pts.shape[0]))
    one = jnp.float32(1.0)
    return jnp.concatenate([mean, std, ext, jnp.stack([mval, sval, tval, rms, dmax, lsize, one])])


def _knn_local(xyz):
    # kNN graph within one cluster (analog of kdtree_graph with k=3)
    d2 = jnp.sum((xyz[:, None, :] - xyz[None, :, :]) ** 2, axis=-1)
    d2 = d2 + jnp.eye(xyz.shape[0], dtype=d2.dtype) * 1e10
    _, idx = jax.lax.top_k(-d2, K_NN)
    src = idx.reshape(-1)
    dst = jnp.repeat(jnp.arange(xyz.shape[0]), K_NN)
    return src, dst


def _forward(data, clusts, We1, be1, We2, be2, Wroot, broot, Wg1, bg1, Wg2, bg2):
    pts = data[clusts]  # [C, S, D_DATA] gather of voxel rows per cluster
    # torch code computes x and u on .detach().cpu().numpy() -> no grad through them
    pts_sg = jax.lax.stop_gradient(pts)
    x = jax.vmap(_vtx_features)(pts_sg).reshape(N_CLUSTS * CLUST_SIZE, D_NODE)
    u = jax.vmap(_cluster_features)(pts_sg)  # [C, D_GLOB]
    xb = jnp.repeat(jnp.arange(N_CLUSTS), CLUST_SIZE)
    xyz = pts[:, :, :3]
    src_l, dst_l = jax.vmap(_knn_local)(xyz)
    offs = (jnp.arange(N_CLUSTS) * CLUST_SIZE)[:, None]
    src = (src_l + offs).reshape(-1)
    dst = (dst_l + offs).reshape(-1)
    xyz_f = xyz.reshape(-1, 3)
    disp = xyz_f[src] - xyz_f[dst]
    edist = jnp.sqrt(jnp.sum(disp * disp, axis=1, keepdims=True) + 1e-12)
    e = jnp.concatenate([disp, edist], axis=1)  # [E, D_EDGE] edge features
    # NNConv: edge-conditioned weight matrix per edge
    h_e = jax.nn.relu(e @ We1 + be1)
    W_edge = (h_e @ We2 + be2).reshape(-1, D_NODE, D_NODE)
    msg = jnp.einsum('ed,edo->eo', x[src], W_edge)
    agg = jax.ops.segment_sum(msg, dst, num_segments=N_CLUSTS * CLUST_SIZE)
    h = jax.nn.relu(x @ Wroot + broot + agg)
    pooled = jax.ops.segment_sum(h, xb, num_segments=N_CLUSTS) / float(CLUST_SIZE)
    g_in = jnp.concatenate([pooled, u], axis=1)
    g = jax.nn.relu(g_in @ Wg1 + bg1) @ Wg2 + bg2  # global_pred [C, N_CLASSES]
    return g[0]


def reference(data, clusts, We1, be1, We2, be2, Wroot, broot, Wg1, bg1, Wg2, bg2):
    return _forward(data, clusts, We1, be1, We2, be2, Wroot, broot, Wg1, bg1, Wg2, bg2)

if __name__ == "__main__":
    import jax
    _d = setup_inputs()
    print(jax.jit(kernel)(*tuple(_d.values())))

</pallas_src>

<mosaic_0001>
#map = affine_map<(d0, d1) -> (0, 0)>
module attributes {stable_mosaic.version = 14 : i64} {
  func.func @_sc_gather(%arg0: i32, %arg1: i32, %arg2: memref<100000x8xf32, #tpu.memory_space<hbm>>, %arg3: memref<64x512xi32, #tpu.memory_space<hbm>>, %arg4: memref<512x8xf32, #tpu.memory_space<hbm>>, %arg5: memref<16xi32, #tpu.memory_space<vmem>>, %arg6: memref<16x8xf32, #tpu.memory_space<vmem>>, %arg7: memref<!tpu.dma_semaphore, #tpu.memory_space<semaphore_mem>>) attributes {dimension_semantics = [#tpu.dimension_semantics<core_parallel>, #tpu.dimension_semantics<subcore_parallel>], iteration_bounds = array<i64: 2, 16>, scalar_prefetch = 0 : i64, scratch_operands = 3 : i64, tpu.core_type = #tpu.core_type<sc_vector_subcore>, window_params = [{transform_indices = #map}, {transform_indices = #map}, {transform_indices = #map}]} {
    %mul3A = arith.constant 2 : i32
    %mul3A_0 = arith.muli %arg1, %mul3A : i32
    %add3A = arith.addi %mul3A_0, %arg0 : i32
    %mul3A_1 = arith.constant 16 : i32
    %mul3A_2 = arith.muli %add3A, %mul3A_1 : i32
    %run_scoped3A = arith.constant 0 : i32
    "tpu.region"() ({
      %run_scoped3A_9 = tpu.sem_alloc : memref<!tpu.dma_semaphore, #tpu.memory_space<semaphore_mem>>
      %dma_start3A_10 = tpu.memref_slice %arg3[%run_scoped3A, %mul3A_2] : memref<64x512xi32, #tpu.memory_space<hbm>> -> memref<1x16xi32, #tpu.memory_space<hbm>>
      %dma_start3A_11 = tpu.memref_squeeze %dma_start3A_10 : memref<1x16xi32, #tpu.memory_space<hbm>> -> memref<16xi32, #tpu.memory_space<hbm>>
      %dma_start3A_12 = tpu.memref_slice %arg3[%run_scoped3A, %mul3A_2] : memref<64x512xi32, #tpu.memory_space<hbm>> -> memref<1x16xi32, #tpu.memory_space<hbm>>
      %dma_start3A_13 = tpu.memref_squeeze %dma_start3A_12 : memref<1x16xi32, #tpu.memory_space<hbm>> -> memref<16xi32, #tpu.memory_space<hbm>>
      tpu.enqueue_dma source(%dma_start3A_13 : memref<16xi32, #tpu.memory_space<hbm>>) target(%arg5 : memref<16xi32, #tpu.memory_space<vmem>>) target_semaphore(%run_scoped3A_9 : memref<!tpu.dma_semaphore, #tpu.memory_space<semaphore_mem>>)
      %dma_wait3A_14 = tpu.memref_slice %arg3[%run_scoped3A, %mul3A_2] : memref<64x512xi32, #tpu.memory_space<hbm>> -> memref<1x16xi32, #tpu.memory_space<hbm>>
      %dma_wait3A_15 = tpu.memref_squeeze %dma_wait3A_14 : memref<1x16xi32, #tpu.memory_space<hbm>> -> memref<16xi32, #tpu.memory_space<hbm>>
      %dma_wait3A_16 = tpu.memref_slice %arg3[%run_scoped3A, %mul3A_2] : memref<64x512xi32, #tpu.memory_space<hbm>> -> memref<1x16xi32, #tpu.memory_space<hbm>>
      %dma_wait3A_17 = tpu.memref_squeeze %dma_wait3A_16 : memref<1x16xi32, #tpu.memory_space<hbm>> -> memref<16xi32, #tpu.memory_space<hbm>>
      tpu.wait_dma2 semaphore(%run_scoped3A_9 : memref<!tpu.dma_semaphore, #tpu.memory_space<semaphore_mem>>) src(%dma_wait3A_17 : memref<16xi32, #tpu.memory_space<hbm>>) dst(%arg5 : memref<16xi32, #tpu.memory_space<vmem>>)
      tpu.yield
    }) : () -> ()
    %get3A = arith.constant 0 : index
    %get3A_3 = tpu.vector_load %arg5[%get3A] {strides = array<i32>} : memref<16xi32, #tpu.memory_space<vmem>>, vector<16xi32>,
    %get3A_4 = vector.shape_cast %get3A_3 : vector<16xi32> to vector<16xi32>
    %dma_start3A = arith.constant 0 : i32
    %dma_start3A_5 = arith.constant 0 : i32
    %dma_start3A_6 = tpu.memref_slice %arg2[%dma_start3A, %dma_start3A_5] : memref<100000x8xf32, #tpu.memory_space<hbm>> -> memref<100000x8xf32, #tpu.memory_space<hbm>>
    tpu.enqueue_indirect_dma source(%dma_start3A_6 : memref<100000x8xf32, #tpu.memory_space<hbm>>) target(%arg6 : memref<16x8xf32, #tpu.memory_space<vmem>>) offsets(%get3A_4 : vector<16xi32>) semaphore(%arg7 : memref<!tpu.dma_semaphore, #tpu.memory_space<semaphore_mem>>)
    %dma_wait3A = arith.constant 0 : i32
    %dma_wait3A_7 = arith.constant 0 : i32
    %dma_wait3A_8 = tpu.memref_slice %arg2[%dma_wait3A, %dma_wait3A_7] : memref<100000x8xf32, #tpu.memory_space<hbm>> -> memref<100000x8xf32, #tpu.memory_space<hbm>>
    tpu.wait_indirect_dma semaphore(%arg7 : memref<!tpu.dma_semaphore, #tpu.memory_space<semaphore_mem>>) src(%dma_wait3A_8 : memref<100000x8xf32, #tpu.memory_space<hbm>>) dst(%arg6 : memref<16x8xf32, #tpu.memory_space<vmem>>)
    "tpu.region"() ({
      %run_scoped3A_9 = tpu.sem_alloc : memref<!tpu.dma_semaphore, #tpu.memory_space<semaphore_mem>>
      %dma_start3A_10 = arith.constant 0 : i32
      %dma_start3A_11 = tpu.memref_slice %arg4[%mul3A_2, %dma_start3A_10] : memref<512x8xf32, #tpu.memory_space<hbm>> -> memref<16x8xf32, #tpu.memory_space<hbm>>
      %dma_start3A_12 = arith.constant 0 : i32
      %dma_start3A_13 = tpu.memref_slice %arg4[%mul3A_2, %dma_start3A_12] : memref<512x8xf32, #tpu.memory_space<hbm>> -> memref<16x8xf32, #tpu.memory_space<hbm>>
      tpu.enqueue_dma source(%arg6 : memref<16x8xf32, #tpu.memory_space<vmem>>) target(%dma_start3A_13 : memref<16x8xf32, #tpu.memory_space<hbm>>) target_semaphore(%run_scoped3A_9 : memref<!tpu.dma_semaphore, #tpu.memory_space<semaphore_mem>>)
      %dma_wait3A_14 = arith.constant 0 : i32
      %dma_wait3A_15 = tpu.memref_slice %arg4[%mul3A_2, %dma_wait3A_14] : memref<512x8xf32, #tpu.memory_space<hbm>> -> memref<16x8xf32, #tpu.memory_space<hbm>>
      %dma_wait3A_16 = arith.constant 0 : i32
      %dma_wait3A_17 = tpu.memref_slice %arg4[%mul3A_2, %dma_wait3A_16] : memref<512x8xf32, #tpu.memory_space<hbm>> -> memref<16x8xf32, #tpu.memory_space<hbm>>
      tpu.wait_dma2 semaphore(%run_scoped3A_9 : memref<!tpu.dma_semaphore, #tpu.memory_space<semaphore_mem>>) src(%arg6 : memref<16x8xf32, #tpu.memory_space<vmem>>) dst(%dma_wait3A_17 : memref<16x8xf32, #tpu.memory_space<hbm>>)
      tpu.yield
    }) : () -> ()
    return
  }
}

module attributes {stable_mosaic.version = 14 : i64} {
  func.func @_cluster_kernel(%arg0: memref<512x8xf32, #tpu.memory_space<vmem>>, %arg1: memref<4x32xf32, #tpu.memory_space<vmem>>, %arg2: memref<1x32xf32, #tpu.memory_space<vmem>>, %arg3: memref<32x256xf32, #tpu.memory_space<vmem>>, %arg4: memref<1x256xf32, #tpu.memory_space<vmem>>, %arg5: memref<16x16xf32, #tpu.memory_space<vmem>>, %arg6: memref<1x16xf32, #tpu.memory_space<vmem>>, %arg7: memref<32x64xf32, #tpu.memory_space<vmem>>, %arg8: memref<1x64xf32, #tpu.memory_space<vmem>>, %arg9: memref<64x2xf32, #tpu.memory_space<vmem>>, %arg10: memref<1x2xf32, #tpu.memory_space<vmem>>, %arg11: memref<1x2xf32, #tpu.memory_space<vmem>>) attributes {dimension_semantics = [], scalar_prefetch = 0 : i64, scratch_operands = 0 : i64, tpu.core_type = #tpu.core_type<tc>} {
    %get3A = arith.constant 0 : index
    %get3A_0 = arith.constant 0 : index
    %get3A_1 = vector.load %arg0[%get3A, %get3A_0] : memref<512x8xf32, #tpu.memory_space<vmem>>, vector<512x5xf32>
    %transpose3A = tpu.transpose %get3A_1, [1, 0] : vector<512x5xf32> -> vector<5x512xf32>
    %slice3A = vector.extract_strided_slice %get3A_1 {offsets = [0, 0], sizes = [512, 3], strides = [1, 1]} : vector<512x5xf32> to vector<512x3xf32>
    %slice3A_2 = vector.extract_strided_slice %get3A_1 {offsets = [0, 4], sizes = [512, 1], strides = [1, 1]} : vector<512x5xf32> to vector<512x1xf32>
    %reduce_sum3A = arith.constant dense<0.000000e+00> : vector<3xf32>
    %reduce_sum3A_3 = vector.multi_reduction <add>, %slice3A, %reduce_sum3A [0] : vector<512x3xf32> to vector<3xf32>
    %broadcast_in_dim3A = vector.shape_cast %reduce_sum3A_3 : vector<3xf32> to vector<1x3xf32>
    %div3A = arith.constant 5.120000e+02 : f32
    %div3A_4 = vector.broadcast %div3A : f32 to vector<1x3xf32>
    %div3A_5 = arith.divf %broadcast_in_dim3A, %div3A_4 : vector<1x3xf32>
    %sub3A = vector.broadcast %div3A_5 : vector<1x3xf32> to vector<512x3xf32>
    %sub3A_6 = arith.subf %slice3A, %sub3A : vector<512x3xf32>
    %mul3A = arith.mulf %sub3A_6, %sub3A_6 : vector<512x3xf32>
    %reduce_sum3A_7 = arith.constant dense<0.000000e+00> : vector<512xf32>
    %reduce_sum3A_8 = vector.multi_reduction <add>, %mul3A, %reduce_sum3A_7 [1] : vector<512x3xf32> to vector<512xf32>
    %broadcast_in_dim3A_9 = vector.shape_cast %reduce_sum3A_8 : vector<512xf32> to vector<512x1xf32>
    %add3A = arith.constant 9.99999996E-13 : f32
    %add3A_10 = vector.broadcast %add3A : f32 to vector<512x1xf32>
    %add3A_11 = arith.addf %broadcast_in_dim3A_9, %add3A_10 : vector<512x1xf32>
    %sqrt3A = math.sqrt %add3A_11 : vector<512x1xf32>
    %sub3A_12 = vector.broadcast %div3A_5 : vector<1x3xf32> to vector<512x3xf32>
    %sub3A_13 = arith.subf %slice3A, %sub3A_12 : vector<512x3xf32>
    %square3A = arith.mulf %sub3A_13, %sub3A_13 : vector<512x3xf32>
    %reduce_sum3A_14 = arith.constant dense<0.000000e+00> : vector<3xf32>
    %reduce_sum3A_15 = vector.multi_reduction <add>, %square3A, %reduce_sum3A_14 [0] : vector<512x3xf32> to vector<3xf32>
    %broadcast_in_dim3A_16 = vector.shape_cast %reduce_sum3A_15 : vector<3xf32> to vector<1x3xf32>
    %div3A_17 = arith.constant 5.120000e+02 : f32
    %div3A_18 = vector.broadcast %div3A_17 : f32 to vector<1x3xf32>
    %div3A_19 = arith.divf %broadcast_in_dim3A_16, %div3A_18 : vector<1x3xf32>
    %sqrt3A_20 = math.sqrt %div3A_19 : vector<1x3xf32>
    %div3A_21 = arith.constant 5.000000e+00 : f32
    %div3A_22 = vector.broadcast %div3A_21 : f32 to vector<512x1xf32>
    %div3A_23 = arith.divf %sqrt3A, %div3A_22 : vector<512x1xf32>
    %jit3A = arith.constant 0.000000e+00 : f32
    %jit3A_24 = arith.constant 1.000000e+00 : f32
    %max3A = vector.broadcast %jit3A : f32 to vector<512x1xf32>
    %max3A_25 = arith.maximumf %max3A, %div3A_23 : vector<512x1xf32>
    %min3A = vector.broadcast %jit3A_24 : f32 to vector<512x1xf32>
    %min3A_26 = arith.minimumf %min3A, %max3A_25 : vector<512x1xf32>
    %broadcast_in_dim3A_27 = arith.constant 1.000000e+00 : f32
    %broadcast_in_dim3A_28 = vector.broadcast %broadcast_in_dim3A_27 : f32 to vector<512x1xf32>
    %broadcast_in_dim3A_29 = vector.shape_cast %sqrt3A_20 : vector<1x3xf32> to vector<1x3xf32>
    %broadcast_in_dim3A_30 = vector.broadcast %broadcast_in_dim3A_29 : vector<1x3xf32> to vector<512x3xf32>
    %broadcast_in_dim3A_31 = vector.shape_cast %div3A_5 : vector<1x3xf32> to vector<1x3xf32>
    %broadcast_in_dim3A_32 = vector.broadcast %broadcast_in_dim3A_31 : vector<1x3xf32> to vector<512x3xf32>
    %concatenate3A = tpu.concatenate %slice3A, %sub3A_6, %sqrt3A, %min3A_26, %slice3A_2, %broadcast_in_dim3A_30, %broadcast_in_dim3A_32, %broadcast_in_dim3A_28 in 1 : vector<512x3xf32>, vector<512x3xf32>, vector<512x1xf32>, vector<512x1xf32>, vector<512x1xf32>, vector<512x3xf32>, vector<512x3xf32>, vector<512x1xf32> -> vector<512x16xf32>
    %reduce_max3A = arith.constant dense<0xFF800000> : vector<3xf32>
    %reduce_max3A_33 = vector.multi_reduction <maximumf>, %slice3A, %reduce_max3A [0] : vector<512x3xf32> to vector<3xf32>
    %broadcast_in_dim3A_34 = vector.shape_cast %reduce_max3A_33 : vector<3xf32> to vector<1x3xf32>
    %reduce_min3A = arith.constant dense<0x7F800000> : vector<3xf32>
    %reduce_min3A_35 = vector.multi_reduction <minimumf>, %slice3A, %reduce_min3A [0] : vector<512x3xf32> to vector<3xf32>
    %broadcast_in_dim3A_36 = vector.shape_cast %reduce_min3A_35 : vector<3xf32> to vector<1x3xf32>
    %sub3A_37 = arith.subf %broadcast_in_dim3A_34, %broadcast_in_dim3A_36 : vector<1x3xf32>
    %reduce_sum3A_38 = arith.constant dense<0.000000e+00> : vector<1xf32>
    %reduce_sum3A_39 = vector.multi_reduction <add>, %slice3A_2, %reduce_sum3A_38 [0] : vector<512x1xf32> to vector<1xf32>
    %broadcast_in_dim3A_40 = vector.shape_cast %reduce_sum3A_39 : vector<1xf32> to vector<1x1xf32>
    %div3A_41 = arith.constant 5.120000e+02 : f32
    %div3A_42 = vector.broadcast %div3A_41 : f32 to vector<1x1xf32>
    %div3A_43 = arith.divf %broadcast_in_dim3A_40, %div3A_42 : vector<1x1xf32>
    %sub3A_44 = vector.broadcast %div3A_43 : vector<1x1xf32> to vector<512x1xf32>
    %sub3A_45 = arith.subf %slice3A_2, %sub3A_44 : vector<512x1xf32>
    %square3A_46 = arith.mulf %sub3A_45, %sub3A_45 : vector<512x1xf32>
    %reduce_sum3A_47 = arith.constant dense<0.000000e+00> : vector<1xf32>
    %reduce_sum3A_48 = vector.multi_reduction <add>, %square3A_46, %reduce_sum3A_47 [0] : vector<512x1xf32> to vector<1xf32>
    %broadcast_in_dim3A_49 = vector.shape_cast %reduce_sum3A_48 : vector<1xf32> to vector<1x1xf32>
    %div3A_50 = arith.constant 5.120000e+02 : f32
    %div3A_51 = vector.broadcast %div3A_50 : f32 to vector<1x1xf32>
    %div3A_52 = arith.divf %broadcast_in_dim3A_49, %div3A_51 : vector<1x1xf32>
    %sqrt3A_53 = math.sqrt %div3A_52 : vector<1x1xf32>
    %reduce_sum3A_54 = arith.constant dense<0.000000e+00> : vector<1xf32>
    %reduce_sum3A_55 = vector.multi_reduction <add>, %slice3A_2, %reduce_sum3A_54 [0] : vector<512x1xf32> to vector<1xf32>
    %broadcast_in_dim3A_56 = vector.shape_cast %reduce_sum3A_55 : vector<1xf32> to vector<1x1xf32>
    %mul3A_57 = arith.mulf %sqrt3A, %sqrt3A : vector<512x1xf32>
    %reduce_sum3A_58 = arith.constant dense<0.000000e+00> : vector<1xf32>
    %reduce_sum3A_59 = vector.multi_reduction <add>, %mul3A_57, %reduce_sum3A_58 [0] : vector<512x1xf32> to vector<1xf32>
    %broadcast_in_dim3A_60 = vector.shape_cast %reduce_sum3A_59 : vector<1xf32> to vector<1x1xf32>
    %div3A_61 = arith.constant 5.120000e+02 : f32
    %div3A_62 = vector.broadcast %div3A_61 : f32 to vector<1x1xf32>
    %div3A_63 = arith.divf %broadcast_in_dim3A_60, %div3A_62 : vector<1x1xf32>
    %sqrt3A_64 = math.sqrt %div3A_63 : vector<1x1xf32>
    %reduce_max3A_65 = arith.constant dense<0xFF800000> : vector<1xf32>
    %reduce_max3A_66 = vector.multi_reduction <maximumf>, %sqrt3A, %reduce_max3A_65 [0] : vector<512x1xf32> to vector<1xf32>
    %broadcast_in_dim3A_67 = vector.shape_cast %reduce_max3A_66 : vector<1xf32> to vector<1x1xf32>
    %broadcast_in_dim3A_68 = arith.constant 6.23832464 : f32
    %broadcast_in_dim3A_69 = vector.broadcast %broadcast_in_dim3A_68 : f32 to vector<1x1xf32>
    %broadcast_in_dim3A_70 = arith.constant 1.000000e+00 : f32
    %broadcast_in_dim3A_71 = vector.broadcast %broadcast_in_dim3A_70 : f32 to vector<1x1xf32>
    %concatenate3A_72 = tpu.concatenate %div3A_5, %sqrt3A_20, %sub3A_37, %div3A_43, %sqrt3A_53, %broadcast_in_dim3A_56, %sqrt3A_64, %broadcast_in_dim3A_67, %broadcast_in_dim3A_69, %broadcast_in_dim3A_71 in 1 : vector<1x3xf32>, vector<1x3xf32>, vector<1x3xf32>, vector<1x1xf32>, vector<1x1xf32>, vector<1x1xf32>, vector<1x1xf32>, vector<1x1xf32>, vector<1x1xf32>, vector<1x1xf32> -> vector<1x16xf32>
    %slice3A_73 = vector.extract_strided_slice %get3A_1 {offsets = [0, 0], sizes = [512, 1], strides = [1, 1]} : vector<512x5xf32> to vector<512x1xf32>
    %slice3A_74 = vector.extract_strided_slice %transpose3A {offsets = [0, 0], sizes = [1, 512], strides = [1, 1]} : vector<5x512xf32> to vector<1x512xf32>
    %sub3A_75 = vector.broadcast %slice3A_73 : vector<512x1xf32> to vector<512x512xf32>
    %sub3A_76 = vector.broadcast %slice3A_74 : vector<1x512xf32> to vector<512x512xf32>
    %sub3A_77 = arith.subf %sub3A_75, %sub3A_76 : vector<512x512xf32>
    %mul3A_78 = arith.mulf %sub3A_77, %sub3A_77 : vector<512x512xf32>
    %slice3A_79 = vector.extract_strided_slice %get3A_1 {offsets = [0, 1], sizes = [512, 1], strides = [1, 1]} : vector<512x5xf32> to vector<512x1xf32>
    %slice3A_80 = vector.extract_strided_slice %transpose3A {offsets = [1, 0], sizes = [1, 512], strides = [1, 1]} : vector<5x512xf32> to vector<1x512xf32>
    %sub3A_81 = vector.broadcast %slice3A_79 : vector<512x1xf32> to vector<512x512xf32>
    %sub3A_82 = vector.broadcast %slice3A_80 : vector<1x512xf32> to vector<512x512xf32>
    %sub3A_83 = arith.subf %sub3A_81, %sub3A_82 : vector<512x512xf32>
    %mul3A_84 = arith.mulf %sub3A_83, %sub3A_83 : vector<512x512xf32>
    %add3A_85 = arith.addf %mul3A_78, %mul3A_84 : vector<512x512xf32>
    %slice3A_86 = vector.extract_strided_slice %get3A_1 {offsets = [0, 2], sizes = [512, 1], strides = [1, 1]} : vector<512x5xf32> to vector<512x1xf32>
    %slice3A_87 = vector.extract_strided_slice %transpose3A {offsets = [2, 0], sizes = [1, 512], strides = [1, 1]} : vector<5x512xf32> to vector<1x512xf32>
    %sub3A_88 = vector.broadcast %slice3A_86 : vector<512x1xf32> to vector<512x512xf32>
    %sub3A_89 = vector.broadcast %slice3A_87 : vector<1x512xf32> to vector<512x512xf32>
    %sub3A_90 = arith.subf %sub3A_88, %sub3A_89 : vector<512x512xf32>
    %mul3A_91 = arith.mulf %sub3A_90, %sub3A_90 : vector<512x512xf32>
    %add3A_92 = arith.addf %add3A_85, %mul3A_91 : vector<512x512xf32>
    %iota3A = tpu.iota {dimensions = array<i32: 0>} : vector<512x512xi32>
    %convert_element_type3A = arith.sitofp %iota3A : vector<512x512xi32> to vector<512x512xf32>
    %iota3A_93 = tpu.iota {dimensions = array<i32: 1>} : vector<512x512xi32>
    %convert_element_type3A_94 = arith.sitofp %iota3A_93 : vector<512x512xi32> to vector<512x512xf32>
    %eq3A = arith.cmpf oeq, %convert_element_type3A, %convert_element_type3A_94 : vector<512x512xf32>
    %jit3A_95 = arith.constant 1.000000e+10 : f32
    %jit3A_96 = arith.constant 0.000000e+00 : f32
    %broadcast_in_dim3A_97 = vector.broadcast %jit3A_95 : f32 to vector<512x512xf32>
    %broadcast_in_dim3A_98 = vector.broadcast %jit3A_96 : f32 to vector<512x512xf32>
    %select_n3A = arith.select %eq3A, %broadcast_in_dim3A_97, %broadcast_in_dim3A_98 : vector<512x512xi1>, vector<512x512xf32>
    %add3A_99 = arith.addf %add3A_92, %select_n3A : vector<512x512xf32>
    %reduce_min3A_100 = arith.constant dense<0x7F800000> : vector<512xf32>
    %reduce_min3A_101 = vector.multi_reduction <minimumf>, %add3A_99, %reduce_min3A_100 [1] : vector<512x512xf32> to vector<512xf32>
    %broadcast_in_dim3A_102 = vector.shape_cast %reduce_min3A_101 : vector<512xf32> to vector<512x1xf32>
    %eq3A_103 = vector.broadcast %broadcast_in_dim3A_102 : vector<512x1xf32> to vector<512x512xf32>
    %eq3A_104 = arith.cmpf oeq, %add3A_99, %eq3A_103 : vector<512x512xf32>
    %jit3A_105 = arith.constant 1.000000e+09 : f32
    %broadcast_in_dim3A_106 = vector.broadcast %jit3A_105 : f32 to vector<512x512xf32>
    %select_n3A_107 = arith.select %eq3A_104, %convert_element_type3A_94, %broadcast_in_dim3A_106 : vector<512x512xi1>, vector<512x512xf32>
    %reduce_min3A_108 = arith.constant dense<0x7F800000> : vector<512xf32>
    %reduce_min3A_109 = vector.multi_reduction <minimumf>, %select_n3A_107, %reduce_min3A_108 [1] : vector<512x512xf32> to vector<512xf32>
    %broadcast_in_dim3A_110 = vector.shape_cast %reduce_min3A_109 : vector<512xf32> to vector<512x1xf32>
    %eq3A_111 = vector.broadcast %broadcast_in_dim3A_110 : vector<512x1xf32> to vector<512x512xf32>
    %eq3A_112 = arith.cmpf oeq, %convert_element_type3A_94, %eq3A_111 : vector<512x512xf32>
    %convert_element_type3A_113 = arith.extui %eq3A_112 : vector<512x512xi1> to vector<512x512xi32>
    %convert_element_type3A_114 = arith.sitofp %convert_element_type3A_113 : vector<512x512xi32> to vector<512x512xf32>
    %dot_general3A = arith.constant dense<0.000000e+00> : vector<512x16xf32>
    %dot_general3A_115 = tpu.matmul %convert_element_type3A_114, %concatenate3A, %dot_general3A {dimension_numbers = #tpu.dot_dimension_numbers<[1], [0], [0], [1], [0, 0, 1, 1], [], []>, precision = #tpu.contract_precision<fp32>, transpose_lhs_hint = false} : vector<512x512xf32>, vector<512x16xf32>, vector<512x16xf32> -> vector<512x16xf32>
    %eq3A_116 = vector.broadcast %broadcast_in_dim3A_110 : vector<512x1xf32> to vector<512x512xf32>
    %eq3A_117 = arith.cmpf oeq, %convert_element_type3A_94, %eq3A_116 : vector<512x512xf32>
    %jit3A_118 = arith.constant 1.000000e+10 : f32
    %broadcast_in_dim3A_119 = vector.broadcast %jit3A_118 : f32 to vector<512x512xf32>
    %select_n3A_120 = arith.select %eq3A_117, %broadcast_in_dim3A_119, %add3A_99 : vector<512x512xi1>, vector<512x512xf32>
    %reduce_min3A_121 = arith.constant dense<0x7F800000> : vector<512xf32>
    %reduce_min3A_122 = vector.multi_reduction <minimumf>, %select_n3A_120, %reduce_min3A_121 [1] : vector<512x512xf32> to vector<512xf32>
    %broadcast_in_dim3A_123 = vector.shape_cast %reduce_min3A_122 : vector<512xf32> to vector<512x1xf32>
    %eq3A_124 = vector.broadcast %broadcast_in_dim3A_123 : vector<512x1xf32> to vector<512x512xf32>
    %eq3A_125 = arith.cmpf oeq, %select_n3A_120, %eq3A_124 : vector<512x512xf32>
    %jit3A_126 = arith.constant 1.000000e+09 : f32
    %broadcast_in_dim3A_127 = vector.broadcast %jit3A_126 : f32 to vector<512x512xf32>
    %select_n3A_128 = arith.select %eq3A_125, %convert_element_type3A_94, %broadcast_in_dim3A_127 : vector<512x512xi1>, vector<512x512xf32>
    %reduce_min3A_129 = arith.constant dense<0x7F800000> : vector<512xf32>
    %reduce_min3A_130 = vector.multi_reduction <minimumf>, %select_n3A_128, %reduce_min3A_129 [1] : vector<512x512xf32> to vector<512xf32>
    %broadcast_in_dim3A_131 = vector.shape_cast %reduce_min3A_130 : vector<512xf32> to vector<512x1xf32>
    %eq3A_132 = vector.broadcast %broadcast_in_dim3A_131 : vector<512x1xf32> to vector<512x512xf32>
    %eq3A_133 = arith.cmpf oeq, %convert_element_type3A_94, %eq3A_132 : vector<512x512xf32>
    %convert_element_type3A_134 = arith.extui %eq3A_133 : vector<512x512xi1> to vector<512x512xi32>
    %convert_element_type3A_135 = arith.sitofp %convert_element_type3A_134 : vector<512x512xi32> to vector<512x512xf32>
    %dot_general3A_136 = arith.constant dense<0.000000e+00> : vector<512x16xf32>
    %dot_general3A_137 = tpu.matmul %convert_element_type3A_135, %concatenate3A, %dot_general3A_136 {dimension_numbers = #tpu.dot_dimension_numbers<[1], [0], [0], [1], [0, 0, 1, 1], [], []>, precision = #tpu.contract_precision<fp32>, transpose_lhs_hint = false} : vector<512x512xf32>, vector<512x16xf32>, vector<512x16xf32> -> vector<512x16xf32>
    %eq3A_138 = vector.broadcast %broadcast_in_dim3A_131 : vector<512x1xf32> to vector<512x512xf32>
    %eq3A_139 = arith.cmpf oeq, %convert_element_type3A_94, %eq3A_138 : vector<512x512xf32>
    %jit3A_140 = arith.constant 1.000000e+10 : f32
    %broadcast_in_dim3A_141 = vector.broadcast %jit3A_140 : f32 to vector<512x512xf32>
    %select_n3A_142 = arith.select %eq3A_139, %broadcast_in_dim3A_141, %select_n3A_120 : vector<512x512xi1>, vector<512x512xf32>
    %reduce_min3A_143 = arith.constant dense<0x7F800000> : vector<512xf32>
    %reduce_min3A_144 = vector.multi_reduction <minimumf>, %select_n3A_142, %reduce_min3A_143 [1] : vector<512x512xf32> to vector<512xf32>
    %broadcast_in_dim3A_145 = vector.shape_cast %reduce_min3A_144 : vector<512xf32> to vector<512x1xf32>
    %eq3A_146 = vector.broadcast %broadcast_in_dim3A_145 : vector<512x1xf32> to vector<512x512xf32>
    %eq3A_147 = arith.cmpf oeq, %select_n3A_142, %eq3A_146 : vector<512x512xf32>
    %jit3A_148 = arith.constant 1.000000e+09 : f32
    %broadcast_in_dim3A_149 = vector.broadcast %jit3A_148 : f32 to vector<512x512xf32>
    %select_n3A_150 = arith.select %eq3A_147, %convert_element_type3A_94, %broadcast_in_dim3A_149 : vector<512x512xi1>, vector<512x512xf32>
    %reduce_min3A_151 = arith.constant dense<0x7F800000> : vector<512xf32>
    %reduce_min3A_152 = vector.multi_reduction <minimumf>, %select_n3A_150, %reduce_min3A_151 [1] : vector<512x512xf32> to vector<512xf32>
    %broadcast_in_dim3A_153 = vector.shape_cast %reduce_min3A_152 : vector<512xf32> to vector<512x1xf32>
    %eq3A_154 = vector.broadcast %broadcast_in_dim3A_153 : vector<512x1xf32> to vector<512x512xf32>
    %eq3A_155 = arith.cmpf oeq, %convert_element_type3A_94, %eq3A_154 : vector<512x512xf32>
    %convert_element_type3A_156 = arith.extui %eq3A_155 : vector<512x512xi1> to vector<512x512xi32>
    %convert_element_type3A_157 = arith.sitofp %convert_element_type3A_156 : vector<512x512xi32> to vector<512x512xf32>
    %dot_general3A_158 = arith.constant dense<0.000000e+00> : vector<512x16xf32>
    %dot_general3A_159 = tpu.matmul %convert_element_type3A_157, %concatenate3A, %dot_general3A_158 {dimension_numbers = #tpu.dot_dimension_numbers<[1], [0], [0], [1], [0, 0, 1, 1], [], []>, precision = #tpu.contract_precision<fp32>, transpose_lhs_hint = false} : vector<512x512xf32>, vector<512x16xf32>, vector<512x16xf32> -> vector<512x16xf32>
    %broadcast_in_dim3A_160 = arith.constant 0.000000e+00 : f32
    %broadcast_in_dim3A_161 = vector.broadcast %broadcast_in_dim3A_160 : f32 to vector<512x16xf32>
    %slice3A_162 = vector.extract_strided_slice %dot_general3A_115 {offsets = [0, 0], sizes = [512, 3], strides = [1, 1]} : vector<512x16xf32> to vector<512x3xf32>
    %sub3A_163 = arith.subf %slice3A_162, %slice3A : vector<512x3xf32>
    %mul3A_164 = arith.mulf %sub3A_163, %sub3A_163 : vector<512x3xf32>
    %reduce_sum3A_165 = arith.constant dense<0.000000e+00> : vector<512xf32>
    %reduce_sum3A_166 = vector.multi_reduction <add>, %mul3A_164, %reduce_sum3A_165 [1] : vector<512x3xf32> to vector<512xf32>
    %broadcast_in_dim3A_167 = vector.shape_cast %reduce_sum3A_166 : vector<512xf32> to vector<512x1xf32>
    %add3A_168 = arith.constant 9.99999996E-13 : f32
    %add3A_169 = vector.broadcast %add3A_168 : f32 to vector<512x1xf32>
    %add3A_170 = arith.addf %broadcast_in_dim3A_167, %add3A_169 : vector<512x1xf32>
    %sqrt3A_171 = math.sqrt %add3A_170 : vector<512x1xf32>
    %concatenate3A_172 = tpu.concatenate %sub3A_163, %sqrt3A_171 in 1 : vector<512x3xf32>, vector<512x1xf32> -> vector<512x4xf32>
    %get3A_173 = arith.constant 0 : index
    %get3A_174 = arith.constant 0 : index
    %get3A_175 = vector.load %arg1[%get3A_173, %get3A_174] : memref<4x32xf32, #tpu.memory_space<vmem>>, vector<4x32xf32>
    %convert_element_type3A_176 = arith.truncf %concatenate3A_172 : vector<512x4xf32> to vector<512x4xbf16>
    %convert_element_type3A_177 = arith.truncf %get3A_175 : vector<4x32xf32> to vector<4x32xbf16>
    %dot_general3A_178 = arith.constant dense<0.000000e+00> : vector<512x32xf32>
    %dot_general3A_179 = tpu.matmul %convert_element_type3A_176, %convert_element_type3A_177, %dot_general3A_178 {dimension_numbers = #tpu.dot_dimension_numbers<[1], [0], [0], [1], [0, 0, 1, 1], [], []>, transpose_lhs_hint = false} : vector<512x4xbf16>, vector<4x32xbf16>, vector<512x32xf32> -> vector<512x32xf32>
    %get3A_180 = arith.constant 0 : index
    %get3A_181 = arith.constant 0 : index
    %get3A_182 = vector.load %arg2[%get3A_180, %get3A_181] : memref<1x32xf32, #tpu.memory_space<vmem>>, vector<1x32xf32>
    %add3A_183 = vector.broadcast %get3A_182 : vector<1x32xf32> to vector<512x32xf32>
    %add3A_184 = arith.addf %dot_general3A_179, %add3A_183 : vector<512x32xf32>
    %max3A_185 = arith.constant 0.000000e+00 : f32
    %max3A_186 = vector.broadcast %max3A_185 : f32 to vector<512x32xf32>
    %max3A_187 = arith.maximumf %add3A_184, %max3A_186 : vector<512x32xf32>
    %get3A_188 = arith.constant 0 : index
    %get3A_189 = arith.constant 0 : index
    %get3A_190 = vector.load %arg3[%get3A_188, %get3A_189] : memref<32x256xf32, #tpu.memory_space<vmem>>, vector<32x256xf32>
    %convert_element_type3A_191 = arith.truncf %max3A_187 : vector<512x32xf32> to vector<512x32xbf16>
    %convert_element_type3A_192 = arith.truncf %get3A_190 : vector<32x256xf32> to vector<32x256xbf16>
    %dot_general3A_193 = arith.constant dense<0.000000e+00> : vector<512x256xf32>
    %dot_general3A_194 = tpu.matmul %convert_element_type3A_191, %convert_element_type3A_192, %dot_general3A_193 {dimension_numbers = #tpu.dot_dimension_numbers<[1], [0], [0], [1], [0, 0, 1, 1], [], []>, transpose_lhs_hint = false} : vector<512x32xbf16>, vector<32x256xbf16>, vector<512x256xf32> -> vector<512x256xf32>
    %get3A_195 = arith.constant 0 : index
    %get3A_196 = arith.constant 0 : index
    %get3A_197 = vector.load %arg4[%get3A_195, %get3A_196] : memref<1x256xf32, #tpu.memory_space<vmem>>, vector<1x256xf32>
    %add3A_198 = vector.broadcast %get3A_197 : vector<1x256xf32> to vector<512x256xf32>
    %add3A_199 = arith.addf %dot_general3A_194, %add3A_198 : vector<512x256xf32>
    %convert_element_type3A_200 = arith.truncf %dot_general3A_115 : vector<512x16xf32> to vector<512x16xbf16>
    %convert_element_type3A_201 = arith.extf %convert_element_type3A_200 : vector<512x16xbf16> to vector<512x16xf32>
    %convert_element_type3A_202 = arith.truncf %add3A_199 : vector<512x256xf32> to vector<512x256xbf16>
    %convert_element_type3A_203 = arith.extf %convert_element_type3A_202 : vector<512x256xbf16> to vector<512x256xf32>
    %broadcast_in_dim3A_204 = arith.constant 0.000000e+00 : f32
    %broadcast_in_dim3A_205 = vector.broadcast %broadcast_in_dim3A_204 : f32 to vector<512x16xf32>
    %slice3A_206 = vector.extract_strided_slice %convert_element_type3A_201 {offsets = [0, 0], sizes = [512, 1], strides = [1, 1]} : vector<512x16xf32> to vector<512x1xf32>
    %slice3A_207 = vector.extract_strided_slice %convert_element_type3A_203 {offsets = [0, 0], sizes = [512, 16], strides = [1, 1]} : vector<512x256xf32> to vector<512x16xf32>
    %mul3A_208 = vector.broadcast %slice3A_206 : vector<512x1xf32> to vector<512x16xf32>
    %mul3A_209 = arith.mulf %mul3A_208, %slice3A_207 : vector<512x16xf32>
    %add3A_210 = arith.addf %broadcast_in_dim3A_205, %mul3A_209 : vector<512x16xf32>
    %slice3A_211 = vector.extract_strided_slice %convert_element_type3A_201 {offsets = [0, 1], sizes = [512, 1], strides = [1, 1]} : vector<512x16xf32> to vector<512x1xf32>
    %slice3A_212 = vector.extract_strided_slice %convert_element_type3A_203 {offsets = [0, 16], sizes = [512, 16], strides = [1, 1]} : vector<512x256xf32> to vector<512x16xf32>
    %mul3A_213 = vector.broadcast %slice3A_211 : vector<512x1xf32> to vector<512x16xf32>
    %mul3A_214 = arith.mulf %mul3A_213, %slice3A_212 : vector<512x16xf32>
    %add3A_215 = arith.addf %add3A_210, %mul3A_214 : vector<512x16xf32>
    %slice3A_216 = vector.extract_strided_slice %convert_element_type3A_201 {offsets = [0, 2], sizes = [512, 1], strides = [1, 1]} : vector<512x16xf32> to vector<512x1xf32>
    %slice3A_217 = vector.extract_strided_slice %convert_element_type3A_203 {offsets = [0, 32], sizes = [512, 16], strides = [1, 1]} : vector<512x256xf32> to vector<512x16xf32>
    %mul3A_218 = vector.broadcast %slice3A_216 : vector<512x1xf32> to vector<512x16xf32>
    %mul3A_219 = arith.mulf %mul3A_218, %slice3A_217 : vector<512x16xf32>
    %add3A_220 = arith.addf %add3A_215, %mul3A_219 : vector<512x16xf32>
    %slice3A_221 = vector.extract_strided_slice %convert_element_type3A_201 {offsets = [0, 3], sizes = [512, 1], strides = [1, 1]} : vector<512x16xf32> to vector<512x1xf32>
    %slice3A_222 = vector.extract_strided_slice %convert_element_type3A_203 {offsets = [0, 48], sizes = [512, 16], strides = [1, 1]} : vector<512x256xf32> to vector<512x16xf32>
    %mul3A_223 = vector.broadcast %slice3A_221 : vector<512x1xf32> to vector<512x16xf32>
    %mul3A_224 = arith.mulf %mul3A_223, %slice3A_222 : vector<512x16xf32>
    %add3A_225 = arith.addf %add3A_220, %mul3A_224 : vector<512x16xf32>
    %slice3A_226 = vector.extract_strided_slice %convert_element_type3A_201 {offsets = [0, 4], sizes = [512, 1], strides = [1, 1]} : vector<512x16xf32> to vector<512x1xf32>
    %slice3A_227 = vector.extract_strided_slice %convert_element_type3A_203 {offsets = [0, 64], sizes = [512, 16], strides = [1, 1]} : vector<512x256xf32> to vector<512x16xf32>
    %mul3A_228 = vector.broadcast %slice3A_226 : vector<512x1xf32> to vector<512x16xf32>
    %mul3A_229 = arith.mulf %mul3A_228, %slice3A_227 : vector<512x16xf32>
    %add3A_230 = arith.addf %add3A_225, %mul3A_229 : vector<512x16xf32>
    %slice3A_231 = vector.extract_strided_slice %convert_element_type3A_201 {offsets = [0, 5], sizes = [512, 1], strides = [1, 1]} : vector<512x16xf32> to vector<512x1xf32>
    %slice3A_232 = vector.extract_strided_slice %convert_element_type3A_203 {offsets = [0, 80], sizes = [512, 16], strides = [1, 1]} : vector<512x256xf32> to vector<512x16xf32>
    %mul3A_233 = vector.broadcast %slice3A_231 : vector<512x1xf32> to vector<512x16xf32>
    %mul3A_234 = arith.mulf %mul3A_233, %slice3A_232 : vector<512x16xf32>
    %add3A_235 = arith.addf %add3A_230, %mul3A_234 : vector<512x16xf32>
    %slice3A_236 = vector.extract_strided_slice %convert_element_type3A_201 {offsets = [0, 6], sizes = [512, 1], strides = [1, 1]} : vector<512x16xf32> to vector<512x1xf32>
    %slice3A_237 = vector.extract_strided_slice %convert_element_type3A_203 {offsets = [0, 96], sizes = [512, 16], strides = [1, 1]} : vector<512x256xf32> to vector<512x16xf32>
    %mul3A_238 = vector.broadcast %slice3A_236 : vector<512x1xf32> to vector<512x16xf32>
    %mul3A_239 = arith.mulf %mul3A_238, %slice3A_237 : vector<512x16xf32>
    %add3A_240 = arith.addf %add3A_235, %mul3A_239 : vector<512x16xf32>
    %slice3A_241 = vector.extract_strided_slice %convert_element_type3A_201 {offsets = [0, 7], sizes = [512, 1], strides = [1, 1]} : vector<512x16xf32> to vector<512x1xf32>
    %slice3A_242 = vector.extract_strided_slice %convert_element_type3A_203 {offsets = [0, 112], sizes = [512, 16], strides = [1, 1]} : vector<512x256xf32> to vector<512x16xf32>
    %mul3A_243 = vector.broadcast %slice3A_241 : vector<512x1xf32> to vector<512x16xf32>
    %mul3A_244 = arith.mulf %mul3A_243, %slice3A_242 : vector<512x16xf32>
    %add3A_245 = arith.addf %add3A_240, %mul3A_244 : vector<512x16xf32>
    %slice3A_246 = vector.extract_strided_slice %convert_element_type3A_201 {offsets = [0, 8], sizes = [512, 1], strides = [1, 1]} : vector<512x16xf32> to vector<512x1xf32>
    %slice3A_247 = vector.extract_strided_slice %convert_element_type3A_203 {offsets = [0, 128], sizes = [512, 16], strides = [1, 1]} : vector<512x256xf32> to vector<512x16xf32>
    %mul3A_248 = vector.broadcast %slice3A_246 : vector<512x1xf32> to vector<512x16xf32>
    %mul3A_249 = arith.mulf %mul3A_248, %slice3A_247 : vector<512x16xf32>
    %add3A_250 = arith.addf %add3A_245, %mul3A_249 : vector<512x16xf32>
    %slice3A_251 = vector.extract_strided_slice %convert_element_type3A_201 {offsets = [0, 9], sizes = [512, 1], strides = [1, 1]} : vector<512x16xf32> to vector<512x1xf32>
    %slice3A_252 = vector.extract_strided_slice %convert_element_type3A_203 {offsets = [0, 144], sizes = [512, 16], strides = [1, 1]} : vector<512x256xf32> to vector<512x16xf32>
    %mul3A_253 = vector.broadcast %slice3A_251 : vector<512x1xf32> to vector<512x16xf32>
    %mul3A_254 = arith.mulf %mul3A_253, %slice3A_252 : vector<512x16xf32>
    %add3A_255 = arith.addf %add3A_250, %mul3A_254 : vector<512x16xf32>
    %slice3A_256 = vector.extract_strided_slice %convert_element_type3A_201 {offsets = [0, 10], sizes = [512, 1], strides = [1, 1]} : vector<512x16xf32> to vector<512x1xf32>
    %slice3A_257 = vector.extract_strided_slice %convert_element_type3A_203 {offsets = [0, 160], sizes = [512, 16], strides = [1, 1]} : vector<512x256xf32> to vector<512x16xf32>
    %mul3A_258 = vector.broadcast %slice3A_256 : vector<512x1xf32> to vector<512x16xf32>
    %mul3A_259 = arith.mulf %mul3A_258, %slice3A_257 : vector<512x16xf32>
    %add3A_260 = arith.addf %add3A_255, %mul3A_259 : vector<512x16xf32>
    %slice3A_261 = vector.extract_strided_slice %convert_element_type3A_201 {offsets = [0, 11], sizes = [512, 1], strides = [1, 1]} : vector<512x16xf32> to vector<512x1xf32>
    %slice3A_262 = vector.extract_strided_slice %convert_element_type3A_203 {offsets = [0, 176], sizes = [512, 16], strides = [1, 1]} : vector<512x256xf32> to vector<512x16xf32>
    %mul3A_263 = vector.broadcast %slice3A_261 : vector<512x1xf32> to vector<512x16xf32>
    %mul3A_264 = arith.mulf %mul3A_263, %slice3A_262 : vector<512x16xf32>
    %add3A_265 = arith.addf %add3A_260, %mul3A_264 : vector<512x16xf32>
    %slice3A_266 = vector.extract_strided_slice %convert_element_type3A_201 {offsets = [0, 12], sizes = [512, 1], strides = [1, 1]} : vector<512x16xf32> to vector<512x1xf32>
    %slice3A_267 = vector.extract_strided_slice %convert_element_type3A_203 {offsets = [0, 192], sizes = [512, 16], strides = [1, 1]} : vector<512x256xf32> to vector<512x16xf32>
    %mul3A_268 = vector.broadcast %slice3A_266 : vector<512x1xf32> to vector<512x16xf32>
    %mul3A_269 = arith.mulf %mul3A_268, %slice3A_267 : vector<512x16xf32>
    %add3A_270 = arith.addf %add3A_265, %mul3A_269 : vector<512x16xf32>
    %slice3A_271 = vector.extract_strided_slice %convert_element_type3A_201 {offsets = [0, 13], sizes = [512, 1], strides = [1, 1]} : vector<512x16xf32> to vector<512x1xf32>
    %slice3A_272 = vector.extract_strided_slice %convert_element_type3A_203 {offsets = [0, 208], sizes = [512, 16], strides = [1, 1]} : vector<512x256xf32> to vector<512x16xf32>
    %mul3A_273 = vector.broadcast %slice3A_271 : vector<512x1xf32> to vector<512x16xf32>
    %mul3A_274 = arith.mulf %mul3A_273, %slice3A_272 : vector<512x16xf32>
    %add3A_275 = arith.addf %add3A_270, %mul3A_274 : vector<512x16xf32>
    %slice3A_276 = vector.extract_strided_slice %convert_element_type3A_201 {offsets = [0, 14], sizes = [512, 1], strides = [1, 1]} : vector<512x16xf32> to vector<512x1xf32>
    %slice3A_277 = vector.extract_strided_slice %convert_element_type3A_203 {offsets = [0, 224], sizes = [512, 16], strides = [1, 1]} : vector<512x256xf32> to vector<512x16xf32>
    %mul3A_278 = vector.broadcast %slice3A_276 : vector<512x1xf32> to vector<512x16xf32>
    %mul3A_279 = arith.mulf %mul3A_278, %slice3A_277 : vector<512x16xf32>
    %add3A_280 = arith.addf %add3A_275, %mul3A_279 : vector<512x16xf32>
    %slice3A_281 = vector.extract_strided_slice %convert_element_type3A_201 {offsets = [0, 15], sizes = [512, 1], strides = [1, 1]} : vector<512x16xf32> to vector<512x1xf32>
    %slice3A_282 = vector.extract_strided_slice %convert_element_type3A_203 {offsets = [0, 240], sizes = [512, 16], strides = [1, 1]} : vector<512x256xf32> to vector<512x16xf32>
    %mul3A_283 = vector.broadcast %slice3A_281 : vector<512x1xf32> to vector<512x16xf32>
    %mul3A_284 = arith.mulf %mul3A_283, %slice3A_282 : vector<512x16xf32>
    %add3A_285 = arith.addf %add3A_280, %mul3A_284 : vector<512x16xf32>
    %add3A_286 = arith.addf %broadcast_in_dim3A_161, %add3A_285 : vector<512x16xf32>
    %slice3A_287 = vector.extract_strided_slice %dot_general3A_137 {offsets = [0, 0], sizes = [512, 3], strides = [1, 1]} : vector<512x16xf32> to vector<512x3xf32>
    %sub3A_288 = arith.subf %slice3A_287, %slice3A : vector<512x3xf32>
    %mul3A_289 = arith.mulf %sub3A_288, %sub3A_288 : vector<512x3xf32>
    %reduce_sum3A_290 = arith.constant dense<0.000000e+00> : vector<512xf32>
    %reduce_sum3A_291 = vector.multi_reduction <add>, %mul3A_289, %reduce_sum3A_290 [1] : vector<512x3xf32> to vector<512xf32>
    %broadcast_in_dim3A_292 = vector.shape_cast %reduce_sum3A_291 : vector<512xf32> to vector<512x1xf32>
    %add3A_293 = arith.constant 9.99999996E-13 : f32
    %add3A_294 = vector.broadcast %add3A_293 : f32 to vector<512x1xf32>
    %add3A_295 = arith.addf %broadcast_in_dim3A_292, %add3A_294 : vector<512x1xf32>
    %sqrt3A_296 = math.sqrt %add3A_295 : vector<512x1xf32>
    %concatenate3A_297 = tpu.concatenate %sub3A_288, %sqrt3A_296 in 1 : vector<512x3xf32>, vector<512x1xf32> -> vector<512x4xf32>
    %get3A_298 = arith.constant 0 : index
    %get3A_299 = arith.constant 0 : index
    %get3A_300 = vector.load %arg1[%get3A_298, %get3A_299] : memref<4x32xf32, #tpu.memory_space<vmem>>, vector<4x32xf32>
    %convert_element_type3A_301 = arith.truncf %concatenate3A_297 : vector<512x4xf32> to vector<512x4xbf16>
    %convert_element_type3A_302 = arith.truncf %get3A_300 : vector<4x32xf32> to vector<4x32xbf16>
    %dot_general3A_303 = arith.constant dense<0.000000e+00> : vector<512x32xf32>
    %dot_general3A_304 = tpu.matmul %convert_element_type3A_301, %convert_element_type3A_302, %dot_general3A_303 {dimension_numbers = #tpu.dot_dimension_numbers<[1], [0], [0], [1], [0, 0, 1, 1], [], []>, transpose_lhs_hint = false} : vector<512x4xbf16>, vector<4x32xbf16>, vector<512x32xf32> -> vector<512x32xf32>
    %get3A_305 = arith.constant 0 : index
    %get3A_306 = arith.constant 0 : index
    %get3A_307 = vector.load %arg2[%get3A_305, %get3A_306] : memref<1x32xf32, #tpu.memory_space<vmem>>, vector<1x32xf32>
    %add3A_308 = vector.broadcast %get3A_307 : vector<1x32xf32> to vector<512x32xf32>
    %add3A_309 = arith.addf %dot_general3A_304, %add3A_308 : vector<512x32xf32>
    %max3A_310 = arith.constant 0.000000e+00 : f32
    %max3A_311 = vector.broadcast %max3A_310 : f32 to vector<512x32xf32>
    %max3A_312 = arith.maximumf %add3A_309, %max3A_311 : vector<512x32xf32>
    %get3A_313 = arith.constant 0 : index
    %get3A_314 = arith.constant 0 : index
    %get3A_315 = vector.load %arg3[%get3A_313, %get3A_314] : memref<32x256xf32, #tpu.memory_space<vmem>>, vector<32x256xf32>
    %convert_element_type3A_316 = arith.truncf %max3A_312 : vector<512x32xf32> to vector<512x32xbf16>
    %convert_element_type3A_317 = arith.truncf %get3A_315 : vector<32x256xf32> to vector<32x256xbf16>
    %dot_general3A_318 = arith.constant dense<0.000000e+00> : vector<512x256xf32>
    %dot_general3A_319 = tpu.matmul %convert_element_type3A_316, %convert_element_type3A_317, %dot_general3A_318 {dimension_numbers = #tpu.dot_dimension_numbers<[1], [0], [0], [1], [0, 0, 1, 1], [], []>, transpose_lhs_hint = false} : vector<512x32xbf16>, vector<32x256xbf16>, vector<512x256xf32> -> vector<512x256xf32>
    %get3A_320 = arith.constant 0 : index
    %get3A_321 = arith.constant 0 : index
    %get3A_322 = vector.load %arg4[%get3A_320, %get3A_321] : memref<1x256xf32, #tpu.memory_space<vmem>>, vector<1x256xf32>
    %add3A_323 = vector.broadcast %get3A_322 : vector<1x256xf32> to vector<512x256xf32>
    %add3A_324 = arith.addf %dot_general3A_319, %add3A_323 : vector<512x256xf32>
    %convert_element_type3A_325 = arith.truncf %dot_general3A_137 : vector<512x16xf32> to vector<512x16xbf16>
    %convert_element_type3A_326 = arith.extf %convert_element_type3A_325 : vector<512x16xbf16> to vector<512x16xf32>
    %convert_element_type3A_327 = arith.truncf %add3A_324 : vector<512x256xf32> to vector<512x256xbf16>
    %convert_element_type3A_328 = arith.extf %convert_element_type3A_327 : vector<512x256xbf16> to vector<512x256xf32>
    %broadcast_in_dim3A_329 = arith.constant 0.000000e+00 : f32
    %broadcast_in_dim3A_330 = vector.broadcast %broadcast_in_dim3A_329 : f32 to vector<512x16xf32>
    %slice3A_331 = vector.extract_strided_slice %convert_element_type3A_326 {offsets = [0, 0], sizes = [512, 1], strides = [1, 1]} : vector<512x16xf32> to vector<512x1xf32>
    %slice3A_332 = vector.extract_strided_slice %convert_element_type3A_328 {offsets = [0, 0], sizes = [512, 16], strides = [1, 1]} : vector<512x256xf32> to vector<512x16xf32>
    %mul3A_333 = vector.broadcast %slice3A_331 : vector<512x1xf32> to vector<512x16xf32>
    %mul3A_334 = arith.mulf %mul3A_333, %slice3A_332 : vector<512x16xf32>
    %add3A_335 = arith.addf %broadcast_in_dim3A_330, %mul3A_334 : vector<512x16xf32>
    %slice3A_336 = vector.extract_strided_slice %convert_element_type3A_326 {offsets = [0, 1], sizes = [512, 1], strides = [1, 1]} : vector<512x16xf32> to vector<512x1xf32>
    %slice3A_337 = vector.extract_strided_slice %convert_element_type3A_328 {offsets = [0, 16], sizes = [512, 16], strides = [1, 1]} : vector<512x256xf32> to vector<512x16xf32>
    %mul3A_338 = vector.broadcast %slice3A_336 : vector<512x1xf32> to vector<512x16xf32>
    %mul3A_339 = arith.mulf %mul3A_338, %slice3A_337 : vector<512x16xf32>
    %add3A_340 = arith.addf %add3A_335, %mul3A_339 : vector<512x16xf32>
    %slice3A_341 = vector.extract_strided_slice %convert_element_type3A_326 {offsets = [0, 2], sizes = [512, 1], strides = [1, 1]} : vector<512x16xf32> to vector<512x1xf32>
    %slice3A_342 = vector.extract_strided_slice %convert_element_type3A_328 {offsets = [0, 32], sizes = [512, 16], strides = [1, 1]} : vector<512x256xf32> to vector<512x16xf32>
    %mul3A_343 = vector.broadcast %slice3A_341 : vector<512x1xf32> to vector<512x16xf32>
    %mul3A_344 = arith.mulf %mul3A_343, %slice3A_342 : vector<512x16xf32>
    %add3A_345 = arith.addf %add3A_340, %mul3A_344 : vector<512x16xf32>
    %slice3A_346 = vector.extract_strided_slice %convert_element_type3A_326 {offsets = [0, 3], sizes = [512, 1], strides = [1, 1]} : vector<512x16xf32> to vector<512x1xf32>
    %slice3A_347 = vector.extract_strided_slice %convert_element_type3A_328 {offsets = [0, 48], sizes = [512, 16], strides = [1, 1]} : vector<512x256xf32> to vector<512x16xf32>
    %mul3A_348 = vector.broadcast %slice3A_346 : vector<512x1xf32> to vector<512x16xf32>
    %mul3A_349 = arith.mulf %mul3A_348, %slice3A_347 : vector<512x16xf32>
    %add3A_350 = arith.addf %add3A_345, %mul3A_349 : vector<512x16xf32>
    %slice3A_351 = vector.extract_strided_slice %convert_element_type3A_326 {offsets = [0, 4], sizes = [512, 1], strides = [1, 1]} : vector<512x16xf32> to vector<512x1xf32>
    %slice3A_352 = vector.extract_strided_slice %convert_element_type3A_328 {offsets = [0, 64], sizes = [512, 16], strides = [1, 1]} : vector<512x256xf32> to vector<512x16xf32>
    %mul3A_353 = vector.broadcast %slice3A_351 : vector<512x1xf32> to vector<512x16xf32>
    %mul3A_354 = arith.mulf %mul3A_353, %slice3A_352 : vector<512x16xf32>
    %add3A_355 = arith.addf %add3A_350, %mul3A_354 : vector<512x16xf32>
    %slice3A_356 = vector.extract_strided_slice %convert_element_type3A_326 {offsets = [0, 5], sizes = [512, 1], strides = [1, 1]} : vector<512x16xf32> to vector<512x1xf32>
    %slice3A_357 = vector.extract_strided_slice %convert_element_type3A_328 {offsets = [0, 80], sizes = [512, 16], strides = [1, 1]} : vector<512x256xf32> to vector<512x16xf32>
    %mul3A_358 = vector.broadcast %slice3A_356 : vector<512x1xf32> to vector<512x16xf32>
    %mul3A_359 = arith.mulf %mul3A_358, %slice3A_357 : vector<512x16xf32>
    %add3A_360 = arith.addf %add3A_355, %mul3A_359 : vector<512x16xf32>
    %slice3A_361 = vector.extract_strided_slice %convert_element_type3A_326 {offsets = [0, 6], sizes = [512, 1], strides = [1, 1]} : vector<512x16xf32> to vector<512x1xf32>
    %slice3A_362 = vector.extract_strided_slice %convert_element_type3A_328 {offsets = [0, 96], sizes = [512, 16], strides = [1, 1]} : vector<512x256xf32> to vector<512x16xf32>
    %mul3A_363 = vector.broadcast %slice3A_361 : vector<512x1xf32> to vector<512x16xf32>
    %mul3A_364 = arith.mulf %mul3A_363, %slice3A_362 : vector<512x16xf32>
    %add3A_365 = arith.addf %add3A_360, %mul3A_364 : vector<512x16xf32>
    %slice3A_366 = vector.extract_strided_slice %convert_element_type3A_326 {offsets = [0, 7], sizes = [512, 1], strides = [1, 1]} : vector<512x16xf32> to vector<512x1xf32>
    %slice3A_367 = vector.extract_strided_slice %convert_element_type3A_328 {offsets = [0, 112], sizes = [512, 16], strides = [1, 1]} : vector<512x256xf32> to vector<512x16xf32>
    %mul3A_368 = vector.broadcast %slice3A_366 : vector<512x1xf32> to vector<512x16xf32>
    %mul3A_369 = arith.mulf %mul3A_368, %slice3A_367 : vector<512x16xf32>
    %add3A_370 = arith.addf %add3A_365, %mul3A_369 : vector<512x16xf32>
    %slice3A_371 = vector.extract_strided_slice %convert_element_type3A_326 {offsets = [0, 8], sizes = [512, 1], strides = [1, 1]} : vector<512x16xf32> to vector<512x1xf32>
    %slice3A_372 = vector.extract_strided_slice %convert_element_type3A_328 {offsets = [0, 128], sizes = [512, 16], strides = [1, 1]} : vector<512x256xf32> to vector<512x16xf32>
    %mul3A_373 = vector.broadcast %slice3A_371 : vector<512x1xf32> to vector<512x16xf32>
    %mul3A_374 = arith.mulf %mul3A_373, %slice3A_372 : vector<512x16xf32>
    %add3A_375 = arith.addf %add3A_370, %mul3A_374 : vector<512x16xf32>
    %slice3A_376 = vector.extract_strided_slice %convert_element_type3A_326 {offsets = [0, 9], sizes = [512, 1], strides = [1, 1]} : vector<512x16xf32> to vector<512x1xf32>
    %slice3A_377 = vector.extract_strided_slice %convert_element_type3A_328 {offsets = [0, 144], sizes = [512, 16], strides = [1, 1]} : vector<512x256xf32> to vector<512x16xf32>
    %mul3A_378 = vector.broadcast %slice3A_376 : vector<512x1xf32> to vector<512x16xf32>
    %mul3A_379 = arith.mulf %mul3A_378, %slice3A_377 : vector<512x16xf32>
    %add3A_380 = arith.addf %add3A_375, %mul3A_379 : vector<512x16xf32>
    %slice3A_381 = vector.extract_strided_slice %convert_element_type3A_326 {offsets = [0, 10], sizes = [512, 1], strides = [1, 1]} : vector<512x16xf32> to vector<512x1xf32>
    %slice3A_382 = vector.extract_strided_slice %convert_element_type3A_328 {offsets = [0, 160], sizes = [512, 16], strides = [1, 1]} : vector<512x256xf32> to vector<512x16xf32>
    %mul3A_383 = vector.broadcast %slice3A_381 : vector<512x1xf32> to vector<512x16xf32>
    %mul3A_384 = arith.mulf %mul3A_383, %slice3A_382 : vector<512x16xf32>
    %add3A_385 = arith.addf %add3A_380, %mul3A_384 : vector<512x16xf32>
    %slice3A_386 = vector.extract_strided_slice %convert_element_type3A_326 {offsets = [0, 11], sizes = [512, 1], strides = [1, 1]} : vector<512x16xf32> to vector<512x1xf32>
    %slice3A_387 = vector.extract_strided_slice %convert_element_type3A_328 {offsets = [0, 176], sizes = [512, 16], strides = [1, 1]} : vector<512x256xf32> to vector<512x16xf32>
    %mul3A_388 = vector.broadcast %slice3A_386 : vector<512x1xf32> to vector<512x16xf32>
    %mul3A_389 = arith.mulf %mul3A_388, %slice3A_387 : vector<512x16xf32>
    %add3A_390 = arith.addf %add3A_385, %mul3A_389 : vector<512x16xf32>
    %slice3A_391 = vector.extract_strided_slice %convert_element_type3A_326 {offsets = [0, 12], sizes = [512, 1], strides = [1, 1]} : vector<512x16xf32> to vector<512x1xf32>
    %slice3A_392 = vector.extract_strided_slice %convert_element_type3A_328 {offsets = [0, 192], sizes = [512, 16], strides = [1, 1]} : vector<512x256xf32> to vector<512x16xf32>
    %mul3A_393 = vector.broadcast %slice3A_391 : vector<512x1xf32> to vector<512x16xf32>
    %mul3A_394 = arith.mulf %mul3A_393, %slice3A_392 : vector<512x16xf32>
    %add3A_395 = arith.addf %add3A_390, %mul3A_394 : vector<512x16xf32>
    %slice3A_396 = vector.extract_strided_slice %convert_element_type3A_326 {offsets = [0, 13], sizes = [512, 1], strides = [1, 1]} : vector<512x16xf32> to vector<512x1xf32>
    %slice3A_397 = vector.extract_strided_slice %convert_element_type3A_328 {offsets = [0, 208], sizes = [512, 16], strides = [1, 1]} : vector<512x256xf32> to vector<512x16xf32>
    %mul3A_398 = vector.broadcast %slice3A_396 : vector<512x1xf32> to vector<512x16xf32>
    %mul3A_399 = arith.mulf %mul3A_398, %slice3A_397 : vector<512x16xf32>
    %add3A_400 = arith.addf %add3A_395, %mul3A_399 : vector<512x16xf32>
    %slice3A_401 = vector.extract_strided_slice %convert_element_type3A_326 {offsets = [0, 14], sizes = [512, 1], strides = [1, 1]} : vector<512x16xf32> to vector<512x1xf32>
    %slice3A_402 = vector.extract_strided_slice %convert_element_type3A_328 {offsets = [0, 224], sizes = [512, 16], strides = [1, 1]} : vector<512x256xf32> to vector<512x16xf32>
    %mul3A_403 = vector.broadcast %slice3A_401 : vector<512x1xf32> to vector<512x16xf32>
    %mul3A_404 = arith.mulf %mul3A_403, %slice3A_402 : vector<512x16xf32>
    %add3A_405 = arith.addf %add3A_400, %mul3A_404 : vector<512x16xf32>
    %slice3A_406 = vector.extract_strided_slice %convert_element_type3A_326 {offsets = [0, 15], sizes = [512, 1], strides = [1, 1]} : vector<512x16xf32> to vector<512x1xf32>
    %slice3A_407 = vector.extract_strided_slice %convert_element_type3A_328 {offsets = [0, 240], sizes = [512, 16], strides = [1, 1]} : vector<512x256xf32> to vector<512x16xf32>
    %mul3A_408 = vector.broadcast %slice3A_406 : vector<512x1xf32> to vector<512x16xf32>
    %mul3A_409 = arith.mulf %mul3A_408, %slice3A_407 : vector<512x16xf32>
    %add3A_410 = arith.addf %add3A_405, %mul3A_409 : vector<512x16xf32>
    %add3A_411 = arith.addf %add3A_286, %add3A_410 : vector<512x16xf32>
    %slice3A_412 = vector.extract_strided_slice %dot_general3A_159 {offsets = [0, 0], sizes = [512, 3], strides = [1, 1]} : vector<512x16xf32> to vector<512x3xf32>
    %sub3A_413 = arith.subf %slice3A_412, %slice3A : vector<512x3xf32>
    %mul3A_414 = arith.mulf %sub3A_413, %sub3A_413 : vector<512x3xf32>
    %reduce_sum3A_415 = arith.constant dense<0.000000e+00> : vector<512xf32>
    %reduce_sum3A_416 = vector.multi_reduction <add>, %mul3A_414, %reduce_sum3A_415 [1] : vector<512x3xf32> to vector<512xf32>
    %broadcast_in_dim3A_417 = vector.shape_cast %reduce_sum3A_416 : vector<512xf32> to vector<512x1xf32>
    %add3A_418 = arith.constant 9.99999996E-13 : f32
    %add3A_419 = vector.broadcast %add3A_418 : f32 to vector<512x1xf32>
    %add3A_420 = arith.addf %broadcast_in_dim3A_417, %add3A_419 : vector<512x1xf32>
    %sqrt3A_421 = math.sqrt %add3A_420 : vector<512x1xf32>
    %concatenate3A_422 = tpu.concatenate %sub3A_413, %sqrt3A_421 in 1 : vector<512x3xf32>, vector<512x1xf32> -> vector<512x4xf32>
    %get3A_423 = arith.constant 0 : index
    %get3A_424 = arith.constant 0 : index
    %get3A_425 = vector.load %arg1[%get3A_423, %get3A_424] : memref<4x32xf32, #tpu.memory_space<vmem>>, vector<4x32xf32>
    %convert_element_type3A_426 = arith.truncf %concatenate3A_422 : vector<512x4xf32> to vector<512x4xbf16>
    %convert_element_type3A_427 = arith.truncf %get3A_425 : vector<4x32xf32> to vector<4x32xbf16>
    %dot_general3A_428 = arith.constant dense<0.000000e+00> : vector<512x32xf32>
    %dot_general3A_429 = tpu.matmul %convert_element_type3A_426, %convert_element_type3A_427, %dot_general3A_428 {dimension_numbers = #tpu.dot_dimension_numbers<[1], [0], [0], [1], [0, 0, 1, 1], [], []>, transpose_lhs_hint = false} : vector<512x4xbf16>, vector<4x32xbf16>, vector<512x32xf32> -> vector<512x32xf32>
    %get3A_430 = arith.constant 0 : index
    %get3A_431 = arith.constant 0 : index
    %get3A_432 = vector.load %arg2[%get3A_430, %get3A_431] : memref<1x32xf32, #tpu.memory_space<vmem>>, vector<1x32xf32>
    %add3A_433 = vector.broadcast %get3A_432 : vector<1x32xf32> to vector<512x32xf32>
    %add3A_434 = arith.addf %dot_general3A_429, %add3A_433 : vector<512x32xf32>
    %max3A_435 = arith.constant 0.000000e+00 : f32
    %max3A_436 = vector.broadcast %max3A_435 : f32 to vector<512x32xf32>
    %max3A_437 = arith.maximumf %add3A_434, %max3A_436 : vector<512x32xf32>
    %get3A_438 = arith.constant 0 : index
    %get3A_439 = arith.constant 0 : index
    %get3A_440 = vector.load %arg3[%get3A_438, %get3A_439] : memref<32x256xf32, #tpu.memory_space<vmem>>, vector<32x256xf32>
    %convert_element_type3A_441 = arith.truncf %max3A_437 : vector<512x32xf32> to vector<512x32xbf16>
    %convert_element_type3A_442 = arith.truncf %get3A_440 : vector<32x256xf32> to vector<32x256xbf16>
    %dot_general3A_443 = arith.constant dense<0.000000e+00> : vector<512x256xf32>
    %dot_general3A_444 = tpu.matmul %convert_element_type3A_441, %convert_element_type3A_442, %dot_general3A_443 {dimension_numbers = #tpu.dot_dimension_numbers<[1], [0], [0], [1], [0, 0, 1, 1], [], []>, transpose_lhs_hint = false} : vector<512x32xbf16>, vector<32x256xbf16>, vector<512x256xf32> -> vector<512x256xf32>
    %get3A_445 = arith.constant 0 : index
    %get3A_446 = arith.constant 0 : index
    %get3A_447 = vector.load %arg4[%get3A_445, %get3A_446] : memref<1x256xf32, #tpu.memory_space<vmem>>, vector<1x256xf32>
    %add3A_448 = vector.broadcast %get3A_447 : vector<1x256xf32> to vector<512x256xf32>
    %add3A_449 = arith.addf %dot_general3A_444, %add3A_448 : vector<512x256xf32>
    %convert_element_type3A_450 = arith.truncf %dot_general3A_159 : vector<512x16xf32> to vector<512x16xbf16>
    %convert_element_type3A_451 = arith.extf %convert_element_type3A_450 : vector<512x16xbf16> to vector<512x16xf32>
    %convert_element_type3A_452 = arith.truncf %add3A_449 : vector<512x256xf32> to vector<512x256xbf16>
    %convert_element_type3A_453 = arith.extf %convert_element_type3A_452 : vector<512x256xbf16> to vector<512x256xf32>
    %broadcast_in_dim3A_454 = arith.constant 0.000000e+00 : f32
    %broadcast_in_dim3A_455 = vector.broadcast %broadcast_in_dim3A_454 : f32 to vector<512x16xf32>
    %slice3A_456 = vector.extract_strided_slice %convert_element_type3A_451 {offsets = [0, 0], sizes = [512, 1], strides = [1, 1]} : vector<512x16xf32> to vector<512x1xf32>
    %slice3A_457 = vector.extract_strided_slice %convert_element_type3A_453 {offsets = [0, 0], sizes = [512, 16], strides = [1, 1]} : vector<512x256xf32> to vector<512x16xf32>
    %mul3A_458 = vector.broadcast %slice3A_456 : vector<512x1xf32> to vector<512x16xf32>
    %mul3A_459 = arith.mulf %mul3A_458, %slice3A_457 : vector<512x16xf32>
    %add3A_460 = arith.addf %broadcast_in_dim3A_455, %mul3A_459 : vector<512x16xf32>
    %slice3A_461 = vector.extract_strided_slice %convert_element_type3A_451 {offsets = [0, 1], sizes = [512, 1], strides = [1, 1]} : vector<512x16xf32> to vector<512x1xf32>
    %slice3A_462 = vector.extract_strided_slice %convert_element_type3A_453 {offsets = [0, 16], sizes = [512, 16], strides = [1, 1]} : vector<512x256xf32> to vector<512x16xf32>
    %mul3A_463 = vector.broadcast %slice3A_461 : vector<512x1xf32> to vector<512x16xf32>
    %mul3A_464 = arith.mulf %mul3A_463, %slice3A_462 : vector<512x16xf32>
    %add3A_465 = arith.addf %add3A_460, %mul3A_464 : vector<512x16xf32>
    %slice3A_466 = vector.extract_strided_slice %convert_element_type3A_451 {offsets = [0, 2], sizes = [512, 1], strides = [1, 1]} : vector<512x16xf32> to vector<512x1xf32>
    %slice3A_467 = vector.extract_strided_slice %convert_element_type3A_453 {offsets = [0, 32], sizes = [512, 16], strides = [1, 1]} : vector<512x256xf32> to vector<512x16xf32>
    %mul3A_468 = vector.broadcast %slice3A_466 : vector<512x1xf32> to vector<512x16xf32>
    %mul3A_469 = arith.mulf %mul3A_468, %slice3A_467 : vector<512x16xf32>
    %add3A_470 = arith.addf %add3A_465, %mul3A_469 : vector<512x16xf32>
    %slice3A_471 = vector.extract_strided_slice %convert_element_type3A_451 {offsets = [0, 3], sizes = [512, 1], strides = [1, 1]} : vector<512x16xf32> to vector<512x1xf32>
    %slice3A_472 = vector.extract_strided_slice %convert_element_type3A_453 {offsets = [0, 48], sizes = [512, 16], strides = [1, 1]} : vector<512x256xf32> to vector<512x16xf32>
    %mul3A_473 = vector.broadcast %slice3A_471 : vector<512x1xf32> to vector<512x16xf32>
    %mul3A_474 = arith.mulf %mul3A_473, %slice3A_472 : vector<512x16xf32>
    %add3A_475 = arith.addf %add3A_470, %mul3A_474 : vector<512x16xf32>
    %slice3A_476 = vector.extract_strided_slice %convert_element_type3A_451 {offsets = [0, 4], sizes = [512, 1], strides = [1, 1]} : vector<512x16xf32> to vector<512x1xf32>
    %slice3A_477 = vector.extract_strided_slice %convert_element_type3A_453 {offsets = [0, 64], sizes = [512, 16], strides = [1, 1]} : vector<512x256xf32> to vector<512x16xf32>
    %mul3A_478 = vector.broadcast %slice3A_476 : vector<512x1xf32> to vector<512x16xf32>
    %mul3A_479 = arith.mulf %mul3A_478, %slice3A_477 : vector<512x16xf32>
    %add3A_480 = arith.addf %add3A_475, %mul3A_479 : vector<512x16xf32>
    %slice3A_481 = vector.extract_strided_slice %convert_element_type3A_451 {offsets = [0, 5], sizes = [512, 1], strides = [1, 1]} : vector<512x16xf32> to vector<512x1xf32>
    %slice3A_482 = vector.extract_strided_slice %convert_element_type3A_453 {offsets = [0, 80], sizes = [512, 16], strides = [1, 1]} : vector<512x256xf32> to vector<512x16xf32>
    %mul3A_483 = vector.broadcast %slice3A_481 : vector<512x1xf32> to vector<512x16xf32>
    %mul3A_484 = arith.mulf %mul3A_483, %slice3A_482 : vector<512x16xf32>
    %add3A_485 = arith.addf %add3A_480, %mul3A_484 : vector<512x16xf32>
    %slice3A_486 = vector.extract_strided_slice %convert_element_type3A_451 {offsets = [0, 6], sizes = [512, 1], strides = [1, 1]} : vector<512x16xf32> to vector<512x1xf32>
    %slice3A_487 = vector.extract_strided_slice %convert_element_type3A_453 {offsets = [0, 96], sizes = [512, 16], strides = [1, 1]} : vector<512x256xf32> to vector<512x16xf32>
    %mul3A_488 = vector.broadcast %slice3A_486 : vector<512x1xf32> to vector<512x16xf32>
    %mul3A_489 = arith.mulf %mul3A_488, %slice3A_487 : vector<512x16xf32>
    %add3A_490 = arith.addf %add3A_485, %mul3A_489 : vector<512x16xf32>
    %slice3A_491 = vector.extract_strided_slice %convert_element_type3A_451 {offsets = [0, 7], sizes = [512, 1], strides = [1, 1]} : vector<512x16xf32> to vector<512x1xf32>
    %slice3A_492 = vector.extract_strided_slice %convert_element_type3A_453 {offsets = [0, 112], sizes = [512, 16], strides = [1, 1]} : vector<512x256xf32> to vector<512x16xf32>
    %mul3A_493 = vector.broadcast %slice3A_491 : vector<512x1xf32> to vector<512x16xf32>
    %mul3A_494 = arith.mulf %mul3A_493, %slice3A_492 : vector<512x16xf32>
    %add3A_495 = arith.addf %add3A_490, %mul3A_494 : vector<512x16xf32>
    %slice3A_496 = vector.extract_strided_slice %convert_element_type3A_451 {offsets = [0, 8], sizes = [512, 1], strides = [1, 1]} : vector<512x16xf32> to vector<512x1xf32>
    %slice3A_497 = vector.extract_strided_slice %convert_element_type3A_453 {offsets = [0, 128], sizes = [512, 16], strides = [1, 1]} : vector<512x256xf32> to vector<512x16xf32>
    %mul3A_498 = vector.broadcast %slice3A_496 : vector<512x1xf32> to vector<512x16xf32>
    %mul3A_499 = arith.mulf %mul3A_498, %slice3A_497 : vector<512x16xf32>
    %add3A_500 = arith.addf %add3A_495, %mul3A_499 : vector<512x16xf32>
    %slice3A_501 = vector.extract_strided_slice %convert_element_type3A_451 {offsets = [0, 9], sizes = [512, 1], strides = [1, 1]} : vector<512x16xf32> to vector<512x1xf32>
    %slice3A_502 = vector.extract_strided_slice %convert_element_type3A_453 {offsets = [0, 144], sizes = [512, 16], strides = [1, 1]} : vector<512x256xf32> to vector<512x16xf32>
    %mul3A_503 = vector.broadcast %slice3A_501 : vector<512x1xf32> to vector<512x16xf32>
    %mul3A_504 = arith.mulf %mul3A_503, %slice3A_502 : vector<512x16xf32>
    %add3A_505 = arith.addf %add3A_500, %mul3A_504 : vector<512x16xf32>
    %slice3A_506 = vector.extract_strided_slice %convert_element_type3A_451 {offsets = [0, 10], sizes = [512, 1], strides = [1, 1]} : vector<512x16xf32> to vector<512x1xf32>
    %slice3A_507 = vector.extract_strided_slice %convert_element_type3A_453 {offsets = [0, 160], sizes = [512, 16], strides = [1, 1]} : vector<512x256xf32> to vector<512x16xf32>
    %mul3A_508 = vector.broadcast %slice3A_506 : vector<512x1xf32> to vector<512x16xf32>
    %mul3A_509 = arith.mulf %mul3A_508, %slice3A_507 : vector<512x16xf32>
    %add3A_510 = arith.addf %add3A_505, %mul3A_509 : vector<512x16xf32>
    %slice3A_511 = vector.extract_strided_slice %convert_element_type3A_451 {offsets = [0, 11], sizes = [512, 1], strides = [1, 1]} : vector<512x16xf32> to vector<512x1xf32>
    %slice3A_512 = vector.extract_strided_slice %convert_element_type3A_453 {offsets = [0, 176], sizes = [512, 16], strides = [1, 1]} : vector<512x256xf32> to vector<512x16xf32>
    %mul3A_513 = vector.broadcast %slice3A_511 : vector<512x1xf32> to vector<512x16xf32>
    %mul3A_514 = arith.mulf %mul3A_513, %slice3A_512 : vector<512x16xf32>
    %add3A_515 = arith.addf %add3A_510, %mul3A_514 : vector<512x16xf32>
    %slice3A_516 = vector.extract_strided_slice %convert_element_type3A_451 {offsets = [0, 12], sizes = [512, 1], strides = [1, 1]} : vector<512x16xf32> to vector<512x1xf32>
    %slice3A_517 = vector.extract_strided_slice %convert_element_type3A_453 {offsets = [0, 192], sizes = [512, 16], strides = [1, 1]} : vector<512x256xf32> to vector<512x16xf32>
    %mul3A_518 = vector.broadcast %slice3A_516 : vector<512x1xf32> to vector<512x16xf32>
    %mul3A_519 = arith.mulf %mul3A_518, %slice3A_517 : vector<512x16xf32>
    %add3A_520 = arith.addf %add3A_515, %mul3A_519 : vector<512x16xf32>
    %slice3A_521 = vector.extract_strided_slice %convert_element_type3A_451 {offsets = [0, 13], sizes = [512, 1], strides = [1, 1]} : vector<512x16xf32> to vector<512x1xf32>
    %slice3A_522 = vector.extract_strided_slice %convert_element_type3A_453 {offsets = [0, 208], sizes = [512, 16], strides = [1, 1]} : vector<512x256xf32> to vector<512x16xf32>
    %mul3A_523 = vector.broadcast %slice3A_521 : vector<512x1xf32> to vector<512x16xf32>
    %mul3A_524 = arith.mulf %mul3A_523, %slice3A_522 : vector<512x16xf32>
    %add3A_525 = arith.addf %add3A_520, %mul3A_524 : vector<512x16xf32>
    %slice3A_526 = vector.extract_strided_slice %convert_element_type3A_451 {offsets = [0, 14], sizes = [512, 1], strides = [1, 1]} : vector<512x16xf32> to vector<512x1xf32>
    %slice3A_527 = vector.extract_strided_slice %convert_element_type3A_453 {offsets = [0, 224], sizes = [512, 16], strides = [1, 1]} : vector<512x256xf32> to vector<512x16xf32>
    %mul3A_528 = vector.broadcast %slice3A_526 : vector<512x1xf32> to vector<512x16xf32>
    %mul3A_529 = arith.mulf %mul3A_528, %slice3A_527 : vector<512x16xf32>
    %add3A_530 = arith.addf %add3A_525, %mul3A_529 : vector<512x16xf32>
    %slice3A_531 = vector.extract_strided_slice %convert_element_type3A_451 {offsets = [0, 15], sizes = [512, 1], strides = [1, 1]} : vector<512x16xf32> to vector<512x1xf32>
    %slice3A_532 = vector.extract_strided_slice %convert_element_type3A_453 {offsets = [0, 240], sizes = [512, 16], strides = [1, 1]} : vector<512x256xf32> to vector<512x16xf32>
    %mul3A_533 = vector.broadcast %slice3A_531 : vector<512x1xf32> to vector<512x16xf32>
    %mul3A_534 = arith.mulf %mul3A_533, %slice3A_532 : vector<512x16xf32>
    %add3A_535 = arith.addf %add3A_530, %mul3A_534 : vector<512x16xf32>
    %add3A_536 = arith.addf %add3A_411, %add3A_535 : vector<512x16xf32>
    %get3A_537 = arith.constant 0 : index
    %get3A_538 = arith.constant 0 : index
    %get3A_539 = vector.load %arg5[%get3A_537, %get3A_538] : memref<16x16xf32, #tpu.memory_space<vmem>>, vector<16x16xf32>
    %convert_element_type3A_540 = arith.truncf %concatenate3A : vector<512x16xf32> to vector<512x16xbf16>
    %convert_element_type3A_541 = arith.truncf %get3A_539 : vector<16x16xf32> to vector<16x16xbf16>
    %dot_general3A_542 = arith.constant dense<0.000000e+00> : vector<512x16xf32>
    %dot_general3A_543 = tpu.matmul %convert_element_type3A_540, %convert_element_type3A_541, %dot_general3A_542 {dimension_numbers = #tpu.dot_dimension_numbers<[1], [0], [0], [1], [0, 0, 1, 1], [], []>, transpose_lhs_hint = false} : vector<512x16xbf16>, vector<16x16xbf16>, vector<512x16xf32> -> vector<512x16xf32>
    %get3A_544 = arith.constant 0 : index
    %get3A_545 = arith.constant 0 : index
    %get3A_546 = vector.load %arg6[%get3A_544, %get3A_545] : memref<1x16xf32, #tpu.memory_space<vmem>>, vector<1x16xf32>
    %add3A_547 = vector.broadcast %get3A_546 : vector<1x16xf32> to vector<512x16xf32>
    %add3A_548 = arith.addf %dot_general3A_543, %add3A_547 : vector<512x16xf32>
    %add3A_549 = arith.addf %add3A_548, %add3A_536 : vector<512x16xf32>
    %max3A_550 = arith.constant 0.000000e+00 : f32
    %max3A_551 = vector.broadcast %max3A_550 : f32 to vector<512x16xf32>
    %max3A_552 = arith.maximumf %add3A_549, %max3A_551 : vector<512x16xf32>
    %reduce_sum3A_553 = arith.constant dense<0.000000e+00> : vector<16xf32>
    %reduce_sum3A_554 = vector.multi_reduction <add>, %max3A_552, %reduce_sum3A_553 [0] : vector<512x16xf32> to vector<16xf32>
    %broadcast_in_dim3A_555 = vector.shape_cast %reduce_sum3A_554 : vector<16xf32> to vector<1x16xf32>
    %div3A_556 = arith.constant 5.120000e+02 : f32
    %div3A_557 = vector.broadcast %div3A_556 : f32 to vector<1x16xf32>
    %div3A_558 = arith.divf %broadcast_in_dim3A_555, %div3A_557 : vector<1x16xf32>
    %concatenate3A_559 = tpu.concatenate %div3A_558, %concatenate3A_72 in 1 : vector<1x16xf32>, vector<1x16xf32> -> vector<1x32xf32>
    %get3A_560 = arith.constant 0 : index
    %get3A_561 = arith.constant 0 : index
    %get3A_562 = vector.load %arg7[%get3A_560, %get3A_561] : memref<32x64xf32, #tpu.memory_space<vmem>>, vector<32x64xf32>
    %convert_element_type3A_563 = arith.truncf %concatenate3A_559 : vector<1x32xf32> to vector<1x32xbf16>
    %convert_element_type3A_564 = arith.truncf %get3A_562 : vector<32x64xf32> to vector<32x64xbf16>
    %dot_general3A_565 = arith.constant dense<0.000000e+00> : vector<1x64xf32>
    %dot_general3A_566 = tpu.matmul %convert_element_type3A_563, %convert_element_type3A_564, %dot_general3A_565 {dimension_numbers = #tpu.dot_dimension_numbers<[1], [0], [0], [1], [0, 0, 1, 1], [], []>, transpose_lhs_hint = false} : vector<1x32xbf16>, vector<32x64xbf16>, vector<1x64xf32> -> vector<1x64xf32>
    %get3A_567 = arith.constant 0 : index
    %get3A_568 = arith.constant 0 : index
    %get3A_569 = vector.load %arg8[%get3A_567, %get3A_568] : memref<1x64xf32, #tpu.memory_space<vmem>>, vector<1x64xf32>
    %add3A_570 = arith.addf %dot_general3A_566, %get3A_569 : vector<1x64xf32>
    %max3A_571 = arith.constant 0.000000e+00 : f32
    %max3A_572 = vector.broadcast %max3A_571 : f32 to vector<1x64xf32>
    %max3A_573 = arith.maximumf %add3A_570, %max3A_572 : vector<1x64xf32>
    %get3A_574 = arith.constant 0 : index
    %get3A_575 = arith.constant 0 : index
    %get3A_576 = vector.load %arg9[%get3A_574, %get3A_575] : memref<64x2xf32, #tpu.memory_space<vmem>>, vector<64x2xf32>
    %convert_element_type3A_577 = arith.truncf %max3A_573 : vector<1x64xf32> to vector<1x64xbf16>
    %convert_element_type3A_578 = arith.truncf %get3A_576 : vector<64x2xf32> to vector<64x2xbf16>
    %dot_general3A_579 = arith.constant dense<0.000000e+00> : vector<1x2xf32>
    %dot_general3A_580 = tpu.matmul %convert_element_type3A_577, %convert_element_type3A_578, %dot_general3A_579 {dimension_numbers = #tpu.dot_dimension_numbers<[1], [0], [0], [1], [0, 0, 1, 1], [], []>, transpose_lhs_hint = false} : vector<1x64xbf16>, vector<64x2xbf16>, vector<1x2xf32> -> vector<1x2xf32>
    %get3A_581 = arith.constant 0 : index
    %get3A_582 = arith.constant 0 : index
    %get3A_583 = vector.load %arg10[%get3A_581, %get3A_582] : memref<1x2xf32, #tpu.memory_space<vmem>>, vector<1x2xf32>
    %add3A_584 = arith.addf %dot_general3A_580, %get3A_583 : vector<1x2xf32>
    %swap3A = arith.constant 0 : index
    %swap3A_585 = arith.constant 0 : index
    %swap3A_586 = vector.load %arg11[%swap3A, %swap3A_585] : memref<1x2xf32, #tpu.memory_space<vmem>>, vector<1x2xf32>
    tpu.vector_store %arg11[%swap3A, %swap3A_585], %add3A_584 {strides = array<i32>} : memref<1x2xf32, #tpu.memory_space<vmem>>, vector<1x2xf32>,
    return
  }
}

</mosaic_0001>

<sc_bundles>
// kernel: kernel.4.cloned.1.call-start
scs
__scs_entry_jumppad:
0x0: {  	(pc) =	sbr.rel $0x88, $3  }
0x1: {  	(tag) =	ssettag $0x0;
	lr =	simm.s32 $0x1  }
0x2: {  	[smem:$0x3F95] =	sst lr;
	_ =	strace $0xD0000000  }
0x3: {  	_ = 	snop  }
0x4: {  	_ = 	snop  }
0x5: {  	_ = 	snop  }
0x6: {  	_ = 	snop  }
0x7: {  	_ = 	snop  }
__scs_overlays_trampoline_lowered:
0x8: {  	[smem:$0x3FA4] =	sst s0  }
0x9: {  	[smem:$0x3FA5] =	sst s1  }
0xa: {  	[smem:$0x3FA6] =	sst s2  }
0xb: {  	[smem:$0x3FA7] =	sst s3  }
0xc: {  	[smem:$0x3FA8] =	sst s4  }
0xd: {  	[smem:$0x3FA9] =	sst s5  }
0xe: {  	[smem:$0x3FAA] =	sst s6  }
0xf: {  	[smem:$0x3FAB] =	sst s7  }
0x10: {  	[smem:$0x3FAC] =	sst s8  }
0x11: {  	[smem:$0x3FAD] =	sst s9;
	s0 =	simm.s32 @!p0 $0x0  }
0x12: {  	s1 =	sld [smem:$0x3F93];
	s0 =	simm.s32 @p0 $0x1  }
0x13: {  	[smem:$0x3FAE] =	sst s0;
	s0 =	simm.s32 @!p1 $0x0  }
0x14: {  	s2 =	sld [smem:$0x3F92];
	s0 =	simm.s32 @p1 $0x1  }
0x15: {  	[smem:$0x3FAF] =	sst s0;
	s0 =	simm.s32 @!p2 $0x0  }
0x16: {  	s3 =	sld [smem:$0x3FDB];
	s0 =	simm.s32 @p2 $0x1  }
0x17: {  	s4 =	simm.s32 $0x1BF5;
	[smem:$0x3FB1] =	sst s0  }
0x18: {  	s0 =	sld [smem:$0x3F94];
	_ =	swait.ge [sflag:s4], $0x0  }
0x19: {  	s7 =	sld [smem:$0x3F95]  }
0x1a: {  	s8 =	sadd.s32 $0xFFFFE003, lr  }
0x1b: {  	s9 =	sadd.s32 $0xFFFFFEF7, lr;
	s5 =	simm.s32 $0xFFFFFFFF;
	p2 =	slt.u32 s8, $0xFFFFF086  }
0x1c: {  	p1 =	slt.u32 s9, $0xF7A;
	s5 =	simm.s32 @!p2 $0x0  }
0x1d: {  	s5 =	simm.s32 @p1 $0x1;
	p0 =	seq.s32 s7, s2  }
0x1e: {  	s7 =	smul.u32 @!p0 $0xF7A, s2;
	p2 =	seq.s32 @!p0 s5, $0x0  }
0x1f: {  	s9 =	smul.u32 $0xF7A, s1;
	s8 =	simm.s32 @!p0 $0x1BF5;
	p2 =	por !p2, p0  }
0x20: {  	[sflag:s8] =	ssyncset.s32 @!p0 $0xFFFFF086;
	s6 =	sadd.s32 @!p0 s3, s7;
	s7 =	simm.s32 @!p0 $0x108  }
0x21: {  	s3 =	sadd.s32 s3, s9;
	s6 =	sadd.s32 @!p0 $0x88, s6;
	s7 =	simm.s32 @p2 $0x1082  }
0x22: {  	[simem:s7], [sflag:s8] =	dma.local @!p0 [hbm:s6], $0xF7A  }
0x23: {  	s9 =	sor.u32 $0xD0000000, s2;
	s6 =	simm.s32 $0x108;
	_ =	swait.ge @!p0 [sflag:s8], $0x0  }
0x24: {  	s3 =	sadd.s32 $0x88, s3;
	s6 =	simm.s32 @!p1 $0x1082;
	[sflag:s4] =	ssyncset.s32 $0xFFFFF086  }
0x25: {  	[simem:s6], [sflag:s4] =	dma.local [hbm:s3], $0xF7A  }
0x26: {  	[smem:$0x3F95] =	sst s1;
	(tag) =	ssettag s2;
	_ =	strace s9  }
0x27: {  	s1 =	sld [smem:$0x3FA5]  }
0x28: {  	s2 =	sld [smem:$0x3FA6]  }
0x29: {  	s4 =	sld [smem:$0x3FA8]  }
0x2a: {  	p0 =	seq.s32 s5, $0x0;
	s5 =	sld [smem:$0x3FA9]  }
0x2b: {  	s6 =	sld [smem:$0x3FAA]  }
0x2c: {  	s7 =	sld [smem:$0x3FAB]  }
0x2d: {  	s3 =	simm.s32 $0x108;
	s8 =	sld [smem:$0x3FAC]  }
0x2e: {  	s3 =	simm.s32 @!p0 $0x1082;
	s9 =	sld [smem:$0x3FAD]  }
0x2f: {  	lr =	sadd.s32 s0, s3;
	s0 =	sld [smem:$0x3FA4]  }
0x30: {  	s3 =	sld [smem:$0x3FA7]  }
0x31: {  	[smem:$0x3FB0] =	sst s10  }
0x32: {  	s10 =	sld [smem:$0x3FAE];
	_ =	sdelay $0x3  }
0x33: {  	p0 =	seq.s32 s10, $0x1;
	s10 =	sld [smem:$0x3FB0];
	_ =	sdelay $0x3  }
0x34: {  	[smem:$0x3FB0] =	sst s10  }
0x35: {  	s10 =	sld [smem:$0x3FAF];
	_ =	sdelay $0x3  }
0x36: {  	p1 =	seq.s32 s10, $0x1;
	s10 =	sld [smem:$0x3FB0];
	_ =	sdelay $0x3  }
0x37: {  	[smem:$0x3FB0] =	sst s10  }
0x38: {  	s10 =	sld [smem:$0x3FB1]  }
0x39: {  	_ = 	snop;
	(pc) =	sbr.ind lr, $3  }
0x3a: {  	_ = 	snop  }
0x3b: {  	_ = 	snop  }
0x3c: {  	p2 =	seq.s32 s10, $0x1;
	s10 =	sld [smem:$0x3FB0]  }
0x3d: {  	_ =	shalt  }
0x3e: {  	_ =	shalt  }
0x3f: {  	_ =	shalt  }
0x40: {  	_ =	shalt  }
0x41: {  	_ =	shalt  }
0x42: {  	_ =	shalt  }
0x43: {  	_ =	shalt  }
0x44: {  	_ =	shalt  }
0x45: {  	_ =	shalt  }
0x46: {  	_ =	shalt  }
0x47: {  	_ =	shalt  }
0x48: {  	_ =	shalt  }
0x49: {  	_ =	shalt  }
0x4a: {  	_ =	shalt  }
0x4b: {  	_ =	shalt  }
0x4c: {  	_ =	shalt  }
0x4d: {  	_ =	shalt  }
0x4e: {  	_ =	shalt  }
0x4f: {  	_ =	shalt  }
0x50: {  	_ =	shalt  }
0x51: {  	_ =	shalt  }
0x52: {  	_ =	shalt  }
0x53: {  	_ =	shalt  }
0x54: {  	_ =	shalt  }
0x55: {  	_ =	shalt  }
0x56: {  	_ =	shalt  }
0x57: {  	_ =	shalt  }
0x58: {  	_ =	shalt  }
0x59: {  	_ =	shalt  }
0x5a: {  	_ =	shalt  }
0x5b: {  	_ =	shalt  }
0x5c: {  	_ =	shalt  }
0x5d: {  	_ =	shalt  }
0x5e: {  	_ =	shalt  }
0x5f: {  	_ =	shalt  }
0x60: {  	_ =	shalt  }
0x61: {  	_ =	shalt  }
0x62: {  	_ =	shalt  }
0x63: {  	_ =	shalt  }
0x64: {  	_ =	shalt  }
0x65: {  	_ =	shalt  }
0x66: {  	_ =	shalt  }
0x67: {  	_ =	shalt  }
0x68: {  	_ =	shalt  }
0x69: {  	_ =	shalt  }
0x6a: {  	_ =	shalt  }
0x6b: {  	_ =	shalt  }
0x6c: {  	_ =	shalt  }
0x6d: {  	_ =	shalt  }
0x6e: {  	_ =	shalt  }
0x6f: {  	_ =	shalt  }
0x70: {  	_ =	shalt  }
0x71: {  	_ =	shalt  }
0x72: {  	_ =	shalt  }
0x73: {  	_ =	shalt  }
0x74: {  	_ =	shalt  }
0x75: {  	_ =	shalt  }
0x76: {  	_ =	shalt  }
0x77: {  	_ =	shalt  }
0x78: {  	_ =	shalt  }
0x79: {  	_ =	shalt  }
0x7a: {  	_ =	shalt  }
0x7b: {  	_ =	shalt  }
0x7c: {  	_ =	shalt  }
0x7d: {  	_ =	shalt  }
0x7e: {  	_ =	shalt  }
0x7f: {  	_ =	shalt  }
0x80: {  	_ =	shalt  }
0x81: {  	_ =	shalt  }
0x82: {  	_ =	shalt  }
0x83: {  	_ =	shalt  }
0x84: {  	_ =	shalt  }
0x85: {  	_ =	shalt  }
0x86: {  	_ =	shalt  }
0x87: {  	_ =	shalt  }
.Lfunc_end0:
.L_simem_size_0:
called_computation_lowered:
.L_overlay_start_0:
0x88: {  	s2 =	sld [smem:$0x3FD9]  }
0x89: {  	s3 =	sld [smem:$0x3FFE];
	_ =	sdelay $0x1  }
0x8a: {  	s1 =	srdreg.scid  }
0x8b: {  	s0 =	sand.u32 $0x1, s1  }
0x8c: {  	s16 =	sshll.u32 s0, $0xA;
	s2 =	sadd.s32 s3, s2  }
0x8d: {  	s2 =	sadd.s32 s2, s16  }
0x8e: {  	[smem:$0x3FBC] =	sst s2  }
0x8f: {  	_ = 	snop  }
0x90: {  	(tm) =	ssettm $0x1  }
0x91: {  	s17 =	sld [smem:$0x3FFB];
	_ =	sdelay $0x3  }
0x92: {  	_ =	strace s17  }
0x93: {  	s2 =	sld [smem:$0x3FFC];
	_ =	sdelay $0x3  }
0x94: {  	_ =	strace s2  }
0x95: {  	s2 =	sld [smem:$0x3FFD];
	_ =	sdelay $0x3  }
0x96: {  	_ =	strace s2  }
0x97: {  	_ =	strace $0x8FFFFFFF  }
0x98: {  	s18 =	sld [smem:$0x3FDB];
	_ =	sdelay $0x1  }
0x99: {  	s19 =	simm.s32 $_scs_section_size  }
0x9a: {  	s4 =	simm.s32 $_size__tile_overlayer_lowered;
	s5 =	simm.s32 $_tile_overlayer_lowered  }
0x9b: {  	s22 =	simm.s32 $0x1BFF;
	s21 =	sshll.u32 s5, $0x1;
	s2 =	sadd.s32 s19, s18  }
0x9c: {  	s6 =	simm.s32 $0x0;
	s20 =	sshll.u32 s4, $0x1;
	s4 =	sadd.s32 s21, s2  }
0x9d: {  	[timem:s6], [sflag:s22] =	dma.local [hbm:s4], s20  }
0x9e: {  	_ =	swait.ge [sflag:s22], s20  }
0x9f: {  	s3 =	ssub.s32 $0x0, s20;
	[sflag:s22] =	ssyncset.done $0x0  }
0xa0: {  	[sflag:s22] =	ssyncadd.s32 s3;
	_ =	sdelay $0x1  }
0xa1: {  	s23 =	simm.s32 $0x1B8B  }
0xa2: {  	_ =	swait.ge [sflag:s23], $0x1  }
0xa3: {  	[sflag:s23] =	ssyncset.done $0x0  }
0xa4: {  	s25 =	simm.s32 $0x1B8E;
	s24 =	sld [smem:$0x3FFE];
	[sflag:s23] =	ssyncadd.s32 $0xFFFFFFFF  }
0xa5: {  	s26 =	simm.s32 $execute0_lowered;
	[smem:$0x3FD2] =	sst s25  }
0xa6: {  	s4 =	sshll.u32 s26, $0x1;
	_ =	strace $0x80000046;
	[dreg:$0x1] =	wrdreg $0xFFFFFFFF  }
0xa7: {  	s28 =	simm.s32 $_size_execute0_lowered;
	s2 =	sadd.s32 s2, s4;
	[dreg:$0x0] =	wrdreg $0x0  }
0xa8: {  	s4 =	sshll.u32 s28, $0x1;
	[dreg:$0x2] =	wrdreg s2  }
0xa9: {  	[dreg:$0x3] =	wrdreg s4  }
0xaa: {  	[dreg:$0x4] =	wrdreg $0xC0  }
0xab: {  	_ =	task [dreg:s6], $0x5FFFF  }
0xac: {  	[dreg:$0x1] =	wrdreg $0xFFFFFFFF  }
0xad: {  	[dreg:$0x0] =	wrdreg $0x60  }
0xae: {  	[dreg:$0x2] =	wrdreg s24  }
0xaf: {  	[dreg:$0x3] =	wrdreg $0x9  }
0xb0: {  	_ =	task.clear_ibuf [dreg:s6], $0x4FFFF;
	_ =	strace $0x90000046  }
0xb1: {  	s29 =	simm.s32 $0x9;
	_ =	strace $0x80000048  }
0xb2: {  	_ =	swait.ge [sflag:s29], $0x1  }
0xb3: {  	[sflag:s29] =	ssyncadd.s32 $0xFFFFFFFF  }
0xb4: {  	_ =	strace $0x90000048  }
0xb5: {  	_ =	sfence  }
0xb6: {  	s30 =	sld [smem:$0x0];
	_ =	sdelay $0x2  }
0xb7: {  	s31 =	sshll.u32 s1, $0xD;
	s1 =	sshrl.u32 s1, $0x2  }
0xb8: {  	s3 =	sand.u32 $0x4000, s31;
	s1 =	sadd.s32 s1, s30  }
0xb9: {  	s0 =	sor.u32 s3, s0;
	s1 =	sshll.u32 s1, $0x11  }
0xba: {  	s0 =	sor.u32 s1, s0  }
0xbb: {  	s0 =	sadd.s32 $0x8F2B, s0  }
0xbc: {  	[sflag:s0] =	ssyncadd.remote.s32 $0x1  }
0xbd: {  	_ =	sfence.sel $0xFFFF  }
0xbe: {  	[dreg:$0x0] =	wrdreg $0xFFFFFFFF;
	(pc) =	sbr.abs _section_cstart, $3  }
0xbf: {  	[dreg:$0x1] =	wrdreg $0xFFFFFFFF  }
0xc0: {  	_ =	task.clear_ibuf [dreg:s6], $0x2FFFF;
	_ =	strace $0x9FFFFFFF  }
0xc1: {  	(tm) =	ssettm $0x7FFFFFFF  }
tec
execute0_lowered:
.L_overlay_start_1:
0x0: {  	(tag) =	ssettag $0x1  }
0x1: {  	s1 =	srdreg.scid  }
0x2: {  	s0 =	stileid.u32;
	s6 =	sand.u32 $0x1, s1  }
0x3: {  	s30 =	sshll.u32 s0, $0x5;
	s2 =	sshll.u32 s6, $0x4  }
0x4: {  	s8 =	rddreg [dreg:$0x0];
	s9 =	sor.u32 s2, s30  }
0x5: {  	s1 =	rddreg [dreg:$0x1];
	s2 =	simm.s32 $0x0;
	s3 =	sshrl.u32 s9, $0x3  }
0x6: {  	[smem:$0x7FF] =	sst s2;
	s3 =	sadd.s32 s3, s8  }
0x7: {  	_ =	strace $0x80000047;
	s4 =	sadd.s32 $0x1A200, s3;
	s3 =	simm.s32 $0x2  }
0x8: {  	[tilespmem:s2], [sflag:$0x2] =	stream.linear.gather [hbm4b:s4+s2], $0x10, $0x38;
	[tilespmem:$0x90] =	vst v63  }
0x9: {  	_ =	swait.ge [sflag:s3], $0x10  }
0xa: {  	[sflag:s3] =	ssyncset.done $0x0  }
0xb: {  	[sflag:s3] =	ssyncadd.s32 $0xFFFFFFF0  }
0xc: {  	v0 =	vld [tilespmem:$0x0];
	_ =	sdelay $0x3  }
0xd: {  	s10 =	ssub.s32 $0x2, s6  }
0xe: {  	s11 =	sshrl.u32 s10, $0x1  }
0xf: {  	s7 =	simm.s32 $0x1;
	s5 =	sadd.s32 $0x1A00, s8;
	s31 =	ssub.s32 s10, s11  }
0x10: {  	vm0 =	vmmov $0xffff;
	s6 =	simm.s32 $0x10;
	s8 =	sadd.s32 s9, s8;
	s9 =	smax.u32 s31, $0x1  }
0x11: {  	[tilespmem:s6], [sflag:$0x1] =	stream.indirect_vreg.gather [hbm4b:s5+s2], $0x8, v0, vm0, $0xb8;
	[tilespmem:$0x90] =	vst v63  }
0x12: {  	p0 =	sne.s32 s9, $0x1;
	_ =	swait.ge [sflag:s7], $0x80  }
.Ltmp0:
0x13: {  	[sflag:s7] =	ssyncset.done $0x0;
	(pc) =	sbr.rel @!p0 .LBB2_2-.Ltmp0, $4  }
0x14: {  	s8 =	sadd.s32 $0x1B200, s8;
	[sflag:s7] =	ssyncadd.s32 $0xFFFFFF80  }
0x15: {  	[hbm4b:s8+s2] =	stream.linear.scatter [tilespmem:s6], [sflag:$0x2], $0x80, $0x38;
	[tilespmem:$0x90] =	vst v63  }
0x16: {  	_ =	swait.ge [sflag:s3], $0x80  }
0x17: {  	s9 =	sadd.s32 $0xFFFFFFFF, s9;
	[sflag:s3] =	ssyncset.done $0x0  }
.LBB2_1:
0x18: {  	p0 =	sne.s32 s9, $0x1;
	s9 =	sadd.s32 $0xFFFFFFFF, s9;
	[sflag:s3] =	ssyncadd.s32 $0xFFFFFF80  }
0x19: {  	[tilespmem:s2], [sflag:$0x2] =	stream.linear.gather [hbm4b:s4+s2], $0x10, $0x38;
	[tilespmem:$0x90] =	vst v63  }
0x1a: {  	_ =	swait.ge [sflag:s3], $0x10  }
0x1b: {  	[sflag:s3] =	ssyncset.done $0x0  }
0x1c: {  	[sflag:s3] =	ssyncadd.s32 $0xFFFFFFF0  }
0x1d: {  	v0 =	vld [tilespmem:$0x0];
	_ =	sdelay $0x7  }
0x1e: {  	[tilespmem:s6], [sflag:$0x1] =	stream.indirect_vreg.gather [hbm4b:s5+s2], $0x8, v0, vm0, $0xb8;
	[tilespmem:$0x90] =	vst v63  }
0x1f: {  	_ =	swait.ge [sflag:s7], $0x80  }
.Ltmp1:
0x20: {  	[sflag:s7] =	ssyncset.done $0x0;
	(pc) =	sbr.rel @p0 .LBB2_1-.Ltmp1, $4  }
0x21: {  	[sflag:s7] =	ssyncadd.s32 $0xFFFFFF80  }
0x22: {  	[hbm4b:s8+s2] =	stream.linear.scatter [tilespmem:s6], [sflag:$0x2], $0x80, $0x38;
	[tilespmem:$0x90] =	vst v63  }
0x23: {  	_ =	swait.ge [sflag:s3], $0x80  }
0x24: {  	[sflag:s3] =	ssyncset.done $0x0  }
.LBB2_2:
0x25: {  	[sflag:s3] =	ssyncadd.s32 $0xFFFFFF80  }
0x26: {  	_ =	sfence.sel $0x180000  }
0x27: {  	[bflag:$0x0] =	sbarrier.arrive $0xFFFF  }
0x28: {  	p0 =	sne.s32 s0, $0x0;
	_ =	strace $0x90000047  }
0x29: {  	s0 =	sadd.s32 @!p0 $0x100000, s1;
	[bflag:$0x2] =	sbarrier.arrive $0xFFFF  }
0x2a: {  	[sflag:s0] =	ssyncadd.tile.s32 @!p0 $0x1;
	_ =	shalt  }
.Lfunc_end2:
_tile_overlayer_lowered:
.L_overlay_start_2:
0x2b: {  	(tag) =	ssettag $0x2  }
0x2c: {  	s0 =	rddreg [dreg:$0x0];
	s2 =	stileid.u32  }
0x2d: {  	s1 =	rddreg [dreg:$0x1];
	p0 =	sne.s32 s2, $0x0  }
0x2e: {  	s3 =	rddreg [dreg:$0x2];
	[bflag:$0x3] =	sbarrier.arrive $0xFFFF;
	s2 =	simm.s32 @!p0 $0x1C02  }
0x2f: {  	[timem:s3], [sflag:s2] =	dma.local @!p0 [hbm:s0], s1  }
0x30: {  	s0 =	simm.s32 @!p0 $0x2  }
0x31: {  	_ =	swait.ge @!p0 [sflag:s0], s1  }
0x32: {  	s1 =	ssub.s32 @!p0 $0x0, s1;
	[sflag:s0] =	ssyncset.done @!p0 $0x0  }
0x33: {  	[sflag:s0] =	ssyncadd.s32 @!p0 s1  }
0x34: {  	[bflag:$0x3] =	sbarrier.arrive $0xFFFF  }
0x35: {  	_ =	shalt  }

</sc_bundles>
